<compile_context>
chip_gen: v7x
topology: tpu7x:2x2x1
jax: 0.10.2.dev20260603
libtpu: 0.0.44.dev20260713+nightly
codegen_flags: <defaults>
</compile_context>

<pallas_src>
import functools

import jax
import jax.numpy as jnp
from jax import lax
from jax.experimental import pallas as pl
from jax.experimental.pallas import tpu as pltpu
from jax.experimental.pallas import tpu_sc as plsc

B = 16384
F = 26
V = 100000
D = 32
C = 16
H0, H1, H2 = 512, 256, 128

NC, NS = 2, 16
NW = NC * NS
TOTAL = B * F
CHUNK = 128
N_CHUNKS = TOTAL // CHUNK
CPW = N_CHUNKS // NW
RING = 8
PF = 4

_mesh = plsc.VectorSubcoreMesh(core_axis_name="c", subcore_axis_name="s")


@functools.partial(
    pl.kernel,
    out_type=jax.ShapeDtypeStruct((TOTAL, D), jnp.float32),
    mesh=_mesh,
    scratch_types=(
        [pltpu.VMEM((CPW, CHUNK), jnp.int32)]
        + [pltpu.VMEM((CHUNK, D), jnp.float32)] * RING
        + [pltpu.SemaphoreType.DMA] * (2 * RING)
    ),
    compiler_params=pltpu.CompilerParams(use_tc_tiling_on_sc=False),
)
def _sc_gather(idx_hbm, tables_hbm, out_hbm, *s):
    idx_v = s[0]
    bufs = s[1:1 + RING]
    srs = s[1 + RING:1 + 2 * RING]
    sws = s[1 + 2 * RING:1 + 3 * RING]
    wid = lax.axis_index("s") * NC + lax.axis_index("c")
    c0 = wid * CPW
    pltpu.sync_copy(idx_hbm.at[pl.ds(c0, CPW), :], idx_v)

    def gissue(c, slot):
        pltpu.async_copy(tables_hbm.at[idx_v.at[c]], bufs[slot], srs[slot])

    for st in range(PF):
        gissue(st, st)

    def blk_body(blk, carry):
        for st in range(RING):
            c = blk * RING + st
            buf, sr, sw = bufs[st], srs[st], sws[st]
            pltpu.make_async_copy(
                tables_hbm.at[idx_v.at[c]], buf, sr).wait()
            pltpu.async_copy(
                buf, out_hbm.at[pl.ds((c0 + c) * CHUNK, CHUNK), :], sw)
            nslot = (st + PF) % RING

            @pl.when(c + PF >= RING)
            def _():
                pltpu.make_async_copy(
                    bufs[nslot], out_hbm.at[pl.ds(0, CHUNK), :],
                    sws[nslot]).wait()

            @pl.when(c + PF < CPW)
            def _():
                gissue(c + PF, nslot)
        return carry

    lax.fori_loop(0, CPW // RING, blk_body, 0)
    for st in range(PF):
        slot = (CPW - PF + st) % RING
        pltpu.make_async_copy(
            bufs[slot], out_hbm.at[pl.ds(0, CHUNK), :], sws[slot]).wait()


BM = 512


def _mlp_body(emb_ref, cont_ref, w0a_ref, w0b_ref, b0_ref, w1_ref, b1_ref,
              w2_ref, b2_ref, out_ref):
    h0 = jnp.dot(emb_ref[...], w0a_ref[...], preferred_element_type=jnp.float32)
    h0 += jnp.dot(cont_ref[...], w0b_ref[...], preferred_element_type=jnp.float32)
    h0 = jnp.maximum(h0 + b0_ref[...], 0.0)
    h1 = jnp.maximum(
        jnp.dot(h0, w1_ref[...], preferred_element_type=jnp.float32) + b1_ref[...], 0.0)
    out_ref[...] = jnp.maximum(
        jnp.dot(h1, w2_ref[...], preferred_element_type=jnp.float32) + b2_ref[...], 0.0)


_mlp = pl.pallas_call(
    _mlp_body,
    grid=(B // BM,),
    in_specs=[
        pl.BlockSpec((BM, F * D), lambda i: (i, 0)),
        pl.BlockSpec((BM, C), lambda i: (i, 0)),
        pl.BlockSpec((F * D, H0), lambda i: (0, 0)),
        pl.BlockSpec((C, H0), lambda i: (0, 0)),
        pl.BlockSpec((1, H0), lambda i: (0, 0)),
        pl.BlockSpec((H0, H1), lambda i: (0, 0)),
        pl.BlockSpec((1, H1), lambda i: (0, 0)),
        pl.BlockSpec((H1, H2), lambda i: (0, 0)),
        pl.BlockSpec((1, H2), lambda i: (0, 0)),
    ],
    out_specs=pl.BlockSpec((BM, H2), lambda i: (i, 0)),
    out_shape=jax.ShapeDtypeStruct((B, H2), jnp.float32),
)


def kernel(continuous, categorical_indices, tables, W0, b0, W1, b1, W2, b2):
    offsets = (jnp.arange(F, dtype=jnp.int32) * V)[None, :]
    flat_idx = (categorical_indices + offsets).reshape(N_CHUNKS, CHUNK)
    emb_flat = _sc_gather(flat_idx, tables)
    emb = emb_flat.reshape(B, F * D)
    return _mlp(emb, continuous.astype(jnp.float32),
                W0[:F * D], W0[F * D:],
                b0.reshape(1, H0), W1, b1.reshape(1, H1),
                W2, b2.reshape(1, H2))

# --- scband reference (transcript-rebuilt; emitter-appended) ---
"""Pipeline reference for scband-you-tube-dnn-16338055594552 (READ-ONLY COPY).

The authoritative reference and input builder live on the scoring server;
editing this copy changes nothing except your own understanding.
"""

import jax, jax.numpy as jnp
import numpy as np

B = 16384      # batch
F = 26         # number of categorical (sparse) fields
V = 100000     # vocab per field
D = 32         # embedding_dim
C = 16         # number of continuous features
HIDDEN = [512, 256, 128]


def setup_inputs(seed: int = 0) -> dict:
    key = jax.random.key(seed)
    ks = jax.random.split(key, 12)
    continuous = jax.random.normal(ks[0], (B, C), dtype=jnp.float32)
    categorical_indices = jax.random.randint(ks[1], (B, F), 0, V, dtype=jnp.int32)
    # One embedding table per categorical field, stored flattened: [F*V, D]
    tables = jax.random.normal(ks[2], (F * V, D), dtype=jnp.float32) * 0.01
    d_in = F * D + C
    dims = [d_in] + HIDDEN
    params = {}
    for i in range(len(HIDDEN)):
        params[f"W{i}"] = jax.random.normal(ks[3 + i], (dims[i], dims[i + 1]), dtype=jnp.float32) * (1.0 / np.sqrt(dims[i]))
        params[f"b{i}"] = jnp.zeros((dims[i + 1],), dtype=jnp.float32)
    return {
        "continuous": continuous,
        "categorical_indices": categorical_indices,
        "tables": tables,
        **params,
    }


def reference(continuous, categorical_indices, tables, W0, b0, W1, b1, W2, b2):
    # DenseFeatures: per-field embedding lookup, concat embeddings + continuous
    offsets = (jnp.arange(F, dtype=categorical_indices.dtype) * V)[None, :]
    flat_idx = (categorical_indices + offsets).reshape(-1)
    emb = jnp.take(tables, flat_idx, axis=0).reshape(B, F * D)
    x = jnp.concatenate([emb, continuous.astype(jnp.float32)], axis=-1)
    # Hidden tower: Dense + relu (activity_regularizer does not alter forward output)
    x = jax.nn.relu(x @ W0 + b0)
    x = jax.nn.relu(x @ W1 + b1)
    x = jax.nn.relu(x @ W2 + b2)
    return x

if __name__ == "__main__":
    import jax
    _d = setup_inputs()
    print(jax.jit(kernel)(*tuple(_d.values())))

</pallas_src>

<mosaic_0001>
#map = affine_map<(d0, d1) -> (0, 0)>
module attributes {stable_mosaic.version = 14 : i64} {
  func.func @_sc_gather(%arg0: i32, %arg1: i32, %arg2: memref<3328x128xi32, #tpu.memory_space<hbm>>, %arg3: memref<2600000x32xf32, #tpu.memory_space<hbm>>, %arg4: memref<425984x32xf32, #tpu.memory_space<hbm>>, %arg5: memref<104x128xi32, #tpu.memory_space<vmem>>, %arg6: memref<128x32xf32, #tpu.memory_space<vmem>>, %arg7: memref<128x32xf32, #tpu.memory_space<vmem>>, %arg8: memref<128x32xf32, #tpu.memory_space<vmem>>, %arg9: memref<128x32xf32, #tpu.memory_space<vmem>>, %arg10: memref<128x32xf32, #tpu.memory_space<vmem>>, %arg11: memref<128x32xf32, #tpu.memory_space<vmem>>, %arg12: memref<128x32xf32, #tpu.memory_space<vmem>>, %arg13: memref<128x32xf32, #tpu.memory_space<vmem>>, %arg14: memref<!tpu.dma_semaphore, #tpu.memory_space<semaphore_mem>>, %arg15: memref<!tpu.dma_semaphore, #tpu.memory_space<semaphore_mem>>, %arg16: memref<!tpu.dma_semaphore, #tpu.memory_space<semaphore_mem>>, %arg17: memref<!tpu.dma_semaphore, #tpu.memory_space<semaphore_mem>>, %arg18: memref<!tpu.dma_semaphore, #tpu.memory_space<semaphore_mem>>, %arg19: memref<!tpu.dma_semaphore, #tpu.memory_space<semaphore_mem>>, %arg20: memref<!tpu.dma_semaphore, #tpu.memory_space<semaphore_mem>>, %arg21: memref<!tpu.dma_semaphore, #tpu.memory_space<semaphore_mem>>, %arg22: memref<!tpu.dma_semaphore, #tpu.memory_space<semaphore_mem>>, %arg23: memref<!tpu.dma_semaphore, #tpu.memory_space<semaphore_mem>>, %arg24: memref<!tpu.dma_semaphore, #tpu.memory_space<semaphore_mem>>, %arg25: memref<!tpu.dma_semaphore, #tpu.memory_space<semaphore_mem>>, %arg26: memref<!tpu.dma_semaphore, #tpu.memory_space<semaphore_mem>>, %arg27: memref<!tpu.dma_semaphore, #tpu.memory_space<semaphore_mem>>, %arg28: memref<!tpu.dma_semaphore, #tpu.memory_space<semaphore_mem>>, %arg29: memref<!tpu.dma_semaphore, #tpu.memory_space<semaphore_mem>>) attributes {dimension_semantics = [#tpu.dimension_semantics<core_parallel>, #tpu.dimension_semantics<subcore_parallel>], iteration_bounds = array<i64: 2, 16>, scalar_prefetch = 0 : i64, scratch_operands = 25 : i64, tpu.core_type = #tpu.core_type<sc_vector_subcore>, window_params = [{transform_indices = #map}, {transform_indices = #map}, {transform_indices = #map}]} {
    %mul3A = arith.constant 2 : i32
    %mul3A_0 = arith.muli %arg1, %mul3A : i32
    %add3A = arith.addi %mul3A_0, %arg0 : i32
    %mul3A_1 = arith.constant 104 : i32
    %mul3A_2 = arith.muli %add3A, %mul3A_1 : i32
    "tpu.region"() ({
      %run_scoped3A = tpu.sem_alloc : memref<!tpu.dma_semaphore, #tpu.memory_space<semaphore_mem>>
      %dma_start3A_58 = arith.constant 0 : i32
      %dma_start3A_59 = tpu.memref_slice %arg2[%mul3A_2, %dma_start3A_58] : memref<3328x128xi32, #tpu.memory_space<hbm>> -> memref<104x128xi32, #tpu.memory_space<hbm>>
      %dma_start3A_60 = arith.constant 0 : i32
      %dma_start3A_61 = tpu.memref_slice %arg2[%mul3A_2, %dma_start3A_60] : memref<3328x128xi32, #tpu.memory_space<hbm>> -> memref<104x128xi32, #tpu.memory_space<hbm>>
      tpu.enqueue_dma source(%dma_start3A_61 : memref<104x128xi32, #tpu.memory_space<hbm>>) target(%arg5 : memref<104x128xi32, #tpu.memory_space<vmem>>) target_semaphore(%run_scoped3A : memref<!tpu.dma_semaphore, #tpu.memory_space<semaphore_mem>>)
      %dma_wait3A_62 = arith.constant 0 : i32
      %dma_wait3A_63 = tpu.memref_slice %arg2[%mul3A_2, %dma_wait3A_62] : memref<3328x128xi32, #tpu.memory_space<hbm>> -> memref<104x128xi32, #tpu.memory_space<hbm>>
      %dma_wait3A_64 = arith.constant 0 : i32
      %dma_wait3A_65 = tpu.memref_slice %arg2[%mul3A_2, %dma_wait3A_64] : memref<3328x128xi32, #tpu.memory_space<hbm>> -> memref<104x128xi32, #tpu.memory_space<hbm>>
      tpu.wait_dma2 semaphore(%run_scoped3A : memref<!tpu.dma_semaphore, #tpu.memory_space<semaphore_mem>>) src(%dma_wait3A_65 : memref<104x128xi32, #tpu.memory_space<hbm>>) dst(%arg5 : memref<104x128xi32, #tpu.memory_space<vmem>>)
      tpu.yield
    }) : () -> ()
    %dma_start3A = arith.constant 0 : i32
    %dma_start3A_3 = arith.constant 0 : i32
    %dma_start3A_4 = tpu.memref_slice %arg5[%dma_start3A, %dma_start3A_3] : memref<104x128xi32, #tpu.memory_space<vmem>> -> memref<1x128xi32, #tpu.memory_space<vmem>>
    %dma_start3A_5 = tpu.memref_squeeze %dma_start3A_4 : memref<1x128xi32, #tpu.memory_space<vmem>> -> memref<128xi32, #tpu.memory_space<vmem>>
    %dma_start3A_6 = arith.constant 0 : i32
    %dma_start3A_7 = arith.constant 0 : i32
    %dma_start3A_8 = tpu.memref_slice %arg3[%dma_start3A_6, %dma_start3A_7] : memref<2600000x32xf32, #tpu.memory_space<hbm>> -> memref<2600000x32xf32, #tpu.memory_space<hbm>>
    tpu.enqueue_indirect_dma source(%dma_start3A_8 : memref<2600000x32xf32, #tpu.memory_space<hbm>>) target(%arg6 : memref<128x32xf32, #tpu.memory_space<vmem>>) offsets(%dma_start3A_5 : memref<128xi32, #tpu.memory_space<vmem>>) semaphore(%arg14 : memref<!tpu.dma_semaphore, #tpu.memory_space<semaphore_mem>>)
    %dma_start3A_9 = arith.constant 1 : i32
    %dma_start3A_10 = arith.constant 0 : i32
    %dma_start3A_11 = tpu.memref_slice %arg5[%dma_start3A_9, %dma_start3A_10] : memref<104x128xi32, #tpu.memory_space<vmem>> -> memref<1x128xi32, #tpu.memory_space<vmem>>
    %dma_start3A_12 = tpu.memref_squeeze %dma_start3A_11 : memref<1x128xi32, #tpu.memory_space<vmem>> -> memref<128xi32, #tpu.memory_space<vmem>>
    %dma_start3A_13 = arith.constant 0 : i32
    %dma_start3A_14 = arith.constant 0 : i32
    %dma_start3A_15 = tpu.memref_slice %arg3[%dma_start3A_13, %dma_start3A_14] : memref<2600000x32xf32, #tpu.memory_space<hbm>> -> memref<2600000x32xf32, #tpu.memory_space<hbm>>
    tpu.enqueue_indirect_dma source(%dma_start3A_15 : memref<2600000x32xf32, #tpu.memory_space<hbm>>) target(%arg7 : memref<128x32xf32, #tpu.memory_space<vmem>>) offsets(%dma_start3A_12 : memref<128xi32, #tpu.memory_space<vmem>>) semaphore(%arg15 : memref<!tpu.dma_semaphore, #tpu.memory_space<semaphore_mem>>)
    %dma_start3A_16 = arith.constant 2 : i32
    %dma_start3A_17 = arith.constant 0 : i32
    %dma_start3A_18 = tpu.memref_slice %arg5[%dma_start3A_16, %dma_start3A_17] : memref<104x128xi32, #tpu.memory_space<vmem>> -> memref<1x128xi32, #tpu.memory_space<vmem>>
    %dma_start3A_19 = tpu.memref_squeeze %dma_start3A_18 : memref<1x128xi32, #tpu.memory_space<vmem>> -> memref<128xi32, #tpu.memory_space<vmem>>
    %dma_start3A_20 = arith.constant 0 : i32
    %dma_start3A_21 = arith.constant 0 : i32
    %dma_start3A_22 = tpu.memref_slice %arg3[%dma_start3A_20, %dma_start3A_21] : memref<2600000x32xf32, #tpu.memory_space<hbm>> -> memref<2600000x32xf32, #tpu.memory_space<hbm>>
    tpu.enqueue_indirect_dma source(%dma_start3A_22 : memref<2600000x32xf32, #tpu.memory_space<hbm>>) target(%arg8 : memref<128x32xf32, #tpu.memory_space<vmem>>) offsets(%dma_start3A_19 : memref<128xi32, #tpu.memory_space<vmem>>) semaphore(%arg16 : memref<!tpu.dma_semaphore, #tpu.memory_space<semaphore_mem>>)
    %dma_start3A_23 = arith.constant 3 : i32
    %dma_start3A_24 = arith.constant 0 : i32
    %dma_start3A_25 = tpu.memref_slice %arg5[%dma_start3A_23, %dma_start3A_24] : memref<104x128xi32, #tpu.memory_space<vmem>> -> memref<1x128xi32, #tpu.memory_space<vmem>>
    %dma_start3A_26 = tpu.memref_squeeze %dma_start3A_25 : memref<1x128xi32, #tpu.memory_space<vmem>> -> memref<128xi32, #tpu.memory_space<vmem>>
    %dma_start3A_27 = arith.constant 0 : i32
    %dma_start3A_28 = arith.constant 0 : i32
    %dma_start3A_29 = tpu.memref_slice %arg3[%dma_start3A_27, %dma_start3A_28] : memref<2600000x32xf32, #tpu.memory_space<hbm>> -> memref<2600000x32xf32, #tpu.memory_space<hbm>>
    tpu.enqueue_indirect_dma source(%dma_start3A_29 : memref<2600000x32xf32, #tpu.memory_space<hbm>>) target(%arg9 : memref<128x32xf32, #tpu.memory_space<vmem>>) offsets(%dma_start3A_26 : memref<128xi32, #tpu.memory_space<vmem>>) semaphore(%arg17 : memref<!tpu.dma_semaphore, #tpu.memory_space<semaphore_mem>>)
    %scan3A = arith.constant 0 : i32
    %scan3A_30 = arith.constant 0 : i32
    %scan3A_31 = arith.constant 13 : i32
    %scan3A_32 = arith.addi %scan3A_30, %scan3A_31 : i32
    %scan3A_33 = arith.constant 1 : i32
    scf.for %scan3A_58 = %scan3A_30 to %scan3A_32 step %scan3A_33  : i32 {
      %mul3A_59 = arith.constant 8 : i32
      %mul3A_60 = arith.muli %scan3A_58, %mul3A_59 : i32
      %add3A_61 = arith.constant 0 : i32
      %add3A_62 = arith.addi %mul3A_60, %add3A_61 : i32
      %dma_wait3A_63 = arith.constant 0 : i32
      %dma_wait3A_64 = tpu.memref_slice %arg5[%add3A_62, %dma_wait3A_63] : memref<104x128xi32, #tpu.memory_space<vmem>> -> memref<1x128xi32, #tpu.memory_space<vmem>>
      %dma_wait3A_65 = tpu.memref_squeeze %dma_wait3A_64 : memref<1x128xi32, #tpu.memory_space<vmem>> -> memref<128xi32, #tpu.memory_space<vmem>>
      %dma_wait3A_66 = arith.constant 0 : i32
      %dma_wait3A_67 = arith.constant 0 : i32
      %dma_wait3A_68 = tpu.memref_slice %arg3[%dma_wait3A_66, %dma_wait3A_67] : memref<2600000x32xf32, #tpu.memory_space<hbm>> -> memref<2600000x32xf32, #tpu.memory_space<hbm>>
      tpu.wait_indirect_dma semaphore(%arg14 : memref<!tpu.dma_semaphore, #tpu.memory_space<semaphore_mem>>) src(%dma_wait3A_68 : memref<2600000x32xf32, #tpu.memory_space<hbm>>) dst(%arg6 : memref<128x32xf32, #tpu.memory_space<vmem>>)
      %add3A_69 = arith.addi %mul3A_2, %add3A_62 : i32
      %mul3A_70 = arith.constant 128 : i32
      %mul3A_71 = arith.muli %add3A_69, %mul3A_70 : i32
      %dma_start3A_72 = arith.constant 0 : i32
      %dma_start3A_73 = tpu.memref_slice %arg4[%mul3A_71, %dma_start3A_72] : memref<425984x32xf32, #tpu.memory_space<hbm>> -> memref<128x32xf32, #tpu.memory_space<hbm>>
      %dma_start3A_74 = arith.constant 0 : i32
      %dma_start3A_75 = tpu.memref_slice %arg4[%mul3A_71, %dma_start3A_74] : memref<425984x32xf32, #tpu.memory_space<hbm>> -> memref<128x32xf32, #tpu.memory_space<hbm>>
      tpu.enqueue_dma source(%arg6 : memref<128x32xf32, #tpu.memory_space<vmem>>) target(%dma_start3A_75 : memref<128x32xf32, #tpu.memory_space<hbm>>) target_semaphore(%arg22 : memref<!tpu.dma_semaphore, #tpu.memory_space<semaphore_mem>>)
      %add3A_76 = arith.constant 4 : i32
      %add3A_77 = arith.addi %add3A_62, %add3A_76 : i32
      %ge3A = arith.constant 8 : i32
      %ge3A_78 = arith.cmpi sge, %add3A_77, %ge3A : i32
      %convert_element_type3A = arith.extui %ge3A_78 : i1 to i32
      %cond3A = arith.constant 0 : i32
      %cond3A_79 = arith.cmpi ne, %convert_element_type3A, %cond3A : i32
      scf.if %cond3A_79 {
        %dma_wait3A_303 = arith.constant 0 : i32
        %dma_wait3A_304 = arith.constant 0 : i32
        %dma_wait3A_305 = tpu.memref_slice %arg4[%dma_wait3A_303, %dma_wait3A_304] : memref<425984x32xf32, #tpu.memory_space<hbm>> -> memref<128x32xf32, #tpu.memory_space<hbm>>
        %dma_wait3A_306 = arith.constant 0 : i32
        %dma_wait3A_307 = arith.constant 0 : i32
        %dma_wait3A_308 = tpu.memref_slice %arg4[%dma_wait3A_306, %dma_wait3A_307] : memref<425984x32xf32, #tpu.memory_space<hbm>> -> memref<128x32xf32, #tpu.memory_space<hbm>>
        tpu.wait_dma2 semaphore(%arg26 : memref<!tpu.dma_semaphore, #tpu.memory_space<semaphore_mem>>) src(%arg10 : memref<128x32xf32, #tpu.memory_space<vmem>>) dst(%dma_wait3A_308 : memref<128x32xf32, #tpu.memory_space<hbm>>)
      } else {
      }
      %add3A_80 = arith.constant 4 : i32
      %add3A_81 = arith.addi %add3A_62, %add3A_80 : i32
      %lt3A = arith.constant 104 : i32
      %lt3A_82 = arith.cmpi slt, %add3A_81, %lt3A : i32
      %convert_element_type3A_83 = arith.extui %lt3A_82 : i1 to i32
      %cond3A_84 = arith.constant 0 : i32
      %cond3A_85 = arith.cmpi ne, %convert_element_type3A_83, %cond3A_84 : i32
      scf.if %cond3A_85 {
        %add3A_303 = arith.constant 4 : i32
        %add3A_304 = arith.addi %add3A_62, %add3A_303 : i32
        %dma_start3A_305 = arith.constant 0 : i32
        %dma_start3A_306 = tpu.memref_slice %arg5[%add3A_304, %dma_start3A_305] : memref<104x128xi32, #tpu.memory_space<vmem>> -> memref<1x128xi32, #tpu.memory_space<vmem>>
        %dma_start3A_307 = tpu.memref_squeeze %dma_start3A_306 : memref<1x128xi32, #tpu.memory_space<vmem>> -> memref<128xi32, #tpu.memory_space<vmem>>
        %dma_start3A_308 = arith.constant 0 : i32
        %dma_start3A_309 = arith.constant 0 : i32
        %dma_start3A_310 = tpu.memref_slice %arg3[%dma_start3A_308, %dma_start3A_309] : memref<2600000x32xf32, #tpu.memory_space<hbm>> -> memref<2600000x32xf32, #tpu.memory_space<hbm>>
        tpu.enqueue_indirect_dma source(%dma_start3A_310 : memref<2600000x32xf32, #tpu.memory_space<hbm>>) target(%arg10 : memref<128x32xf32, #tpu.memory_space<vmem>>) offsets(%dma_start3A_307 : memref<128xi32, #tpu.memory_space<vmem>>) semaphore(%arg18 : memref<!tpu.dma_semaphore, #tpu.memory_space<semaphore_mem>>)
      } else {
      }
      %mul3A_86 = arith.constant 8 : i32
      %mul3A_87 = arith.muli %scan3A_58, %mul3A_86 : i32
      %add3A_88 = arith.constant 1 : i32
      %add3A_89 = arith.addi %mul3A_87, %add3A_88 : i32
      %dma_wait3A_90 = arith.constant 0 : i32
      %dma_wait3A_91 = tpu.memref_slice %arg5[%add3A_89, %dma_wait3A_90] : memref<104x128xi32, #tpu.memory_space<vmem>> -> memref<1x128xi32, #tpu.memory_space<vmem>>
      %dma_wait3A_92 = tpu.memref_squeeze %dma_wait3A_91 : memref<1x128xi32, #tpu.memory_space<vmem>> -> memref<128xi32, #tpu.memory_space<vmem>>
      %dma_wait3A_93 = arith.constant 0 : i32
      %dma_wait3A_94 = arith.constant 0 : i32
      %dma_wait3A_95 = tpu.memref_slice %arg3[%dma_wait3A_93, %dma_wait3A_94] : memref<2600000x32xf32, #tpu.memory_space<hbm>> -> memref<2600000x32xf32, #tpu.memory_space<hbm>>
      tpu.wait_indirect_dma semaphore(%arg15 : memref<!tpu.dma_semaphore, #tpu.memory_space<semaphore_mem>>) src(%dma_wait3A_95 : memref<2600000x32xf32, #tpu.memory_space<hbm>>) dst(%arg7 : memref<128x32xf32, #tpu.memory_space<vmem>>)
      %add3A_96 = arith.addi %mul3A_2, %add3A_89 : i32
      %mul3A_97 = arith.constant 128 : i32
      %mul3A_98 = arith.muli %add3A_96, %mul3A_97 : i32
      %dma_start3A_99 = arith.constant 0 : i32
      %dma_start3A_100 = tpu.memref_slice %arg4[%mul3A_98, %dma_start3A_99] : memref<425984x32xf32, #tpu.memory_space<hbm>> -> memref<128x32xf32, #tpu.memory_space<hbm>>
      %dma_start3A_101 = arith.constant 0 : i32
      %dma_start3A_102 = tpu.memref_slice %arg4[%mul3A_98, %dma_start3A_101] : memref<425984x32xf32, #tpu.memory_space<hbm>> -> memref<128x32xf32, #tpu.memory_space<hbm>>
      tpu.enqueue_dma source(%arg7 : memref<128x32xf32, #tpu.memory_space<vmem>>) target(%dma_start3A_102 : memref<128x32xf32, #tpu.memory_space<hbm>>) target_semaphore(%arg23 : memref<!tpu.dma_semaphore, #tpu.memory_space<semaphore_mem>>)
      %add3A_103 = arith.constant 4 : i32
      %add3A_104 = arith.addi %add3A_89, %add3A_103 : i32
      %ge3A_105 = arith.constant 8 : i32
      %ge3A_106 = arith.cmpi sge, %add3A_104, %ge3A_105 : i32
      %convert_element_type3A_107 = arith.extui %ge3A_106 : i1 to i32
      %cond3A_108 = arith.constant 0 : i32
      %cond3A_109 = arith.cmpi ne, %convert_element_type3A_107, %cond3A_108 : i32
      scf.if %cond3A_109 {
        %dma_wait3A_303 = arith.constant 0 : i32
        %dma_wait3A_304 = arith.constant 0 : i32
        %dma_wait3A_305 = tpu.memref_slice %arg4[%dma_wait3A_303, %dma_wait3A_304] : memref<425984x32xf32, #tpu.memory_space<hbm>> -> memref<128x32xf32, #tpu.memory_space<hbm>>
        %dma_wait3A_306 = arith.constant 0 : i32
        %dma_wait3A_307 = arith.constant 0 : i32
        %dma_wait3A_308 = tpu.memref_slice %arg4[%dma_wait3A_306, %dma_wait3A_307] : memref<425984x32xf32, #tpu.memory_space<hbm>> -> memref<128x32xf32, #tpu.memory_space<hbm>>
        tpu.wait_dma2 semaphore(%arg27 : memref<!tpu.dma_semaphore, #tpu.memory_space<semaphore_mem>>) src(%arg11 : memref<128x32xf32, #tpu.memory_space<vmem>>) dst(%dma_wait3A_308 : memref<128x32xf32, #tpu.memory_space<hbm>>)
      } else {
      }
      %add3A_110 = arith.constant 4 : i32
      %add3A_111 = arith.addi %add3A_89, %add3A_110 : i32
      %lt3A_112 = arith.constant 104 : i32
      %lt3A_113 = arith.cmpi slt, %add3A_111, %lt3A_112 : i32
      %convert_element_type3A_114 = arith.extui %lt3A_113 : i1 to i32
      %cond3A_115 = arith.constant 0 : i32
      %cond3A_116 = arith.cmpi ne, %convert_element_type3A_114, %cond3A_115 : i32
      scf.if %cond3A_116 {
        %add3A_303 = arith.constant 4 : i32
        %add3A_304 = arith.addi %add3A_89, %add3A_303 : i32
        %dma_start3A_305 = arith.constant 0 : i32
        %dma_start3A_306 = tpu.memref_slice %arg5[%add3A_304, %dma_start3A_305] : memref<104x128xi32, #tpu.memory_space<vmem>> -> memref<1x128xi32, #tpu.memory_space<vmem>>
        %dma_start3A_307 = tpu.memref_squeeze %dma_start3A_306 : memref<1x128xi32, #tpu.memory_space<vmem>> -> memref<128xi32, #tpu.memory_space<vmem>>
        %dma_start3A_308 = arith.constant 0 : i32
        %dma_start3A_309 = arith.constant 0 : i32
        %dma_start3A_310 = tpu.memref_slice %arg3[%dma_start3A_308, %dma_start3A_309] : memref<2600000x32xf32, #tpu.memory_space<hbm>> -> memref<2600000x32xf32, #tpu.memory_space<hbm>>
        tpu.enqueue_indirect_dma source(%dma_start3A_310 : memref<2600000x32xf32, #tpu.memory_space<hbm>>) target(%arg11 : memref<128x32xf32, #tpu.memory_space<vmem>>) offsets(%dma_start3A_307 : memref<128xi32, #tpu.memory_space<vmem>>) semaphore(%arg19 : memref<!tpu.dma_semaphore, #tpu.memory_space<semaphore_mem>>)
      } else {
      }
      %mul3A_117 = arith.constant 8 : i32
      %mul3A_118 = arith.muli %scan3A_58, %mul3A_117 : i32
      %add3A_119 = arith.constant 2 : i32
      %add3A_120 = arith.addi %mul3A_118, %add3A_119 : i32
      %dma_wait3A_121 = arith.constant 0 : i32
      %dma_wait3A_122 = tpu.memref_slice %arg5[%add3A_120, %dma_wait3A_121] : memref<104x128xi32, #tpu.memory_space<vmem>> -> memref<1x128xi32, #tpu.memory_space<vmem>>
      %dma_wait3A_123 = tpu.memref_squeeze %dma_wait3A_122 : memref<1x128xi32, #tpu.memory_space<vmem>> -> memref<128xi32, #tpu.memory_space<vmem>>
      %dma_wait3A_124 = arith.constant 0 : i32
      %dma_wait3A_125 = arith.constant 0 : i32
      %dma_wait3A_126 = tpu.memref_slice %arg3[%dma_wait3A_124, %dma_wait3A_125] : memref<2600000x32xf32, #tpu.memory_space<hbm>> -> memref<2600000x32xf32, #tpu.memory_space<hbm>>
      tpu.wait_indirect_dma semaphore(%arg16 : memref<!tpu.dma_semaphore, #tpu.memory_space<semaphore_mem>>) src(%dma_wait3A_126 : memref<2600000x32xf32, #tpu.memory_space<hbm>>) dst(%arg8 : memref<128x32xf32, #tpu.memory_space<vmem>>)
      %add3A_127 = arith.addi %mul3A_2, %add3A_120 : i32
      %mul3A_128 = arith.constant 128 : i32
      %mul3A_129 = arith.muli %add3A_127, %mul3A_128 : i32
      %dma_start3A_130 = arith.constant 0 : i32
      %dma_start3A_131 = tpu.memref_slice %arg4[%mul3A_129, %dma_start3A_130] : memref<425984x32xf32, #tpu.memory_space<hbm>> -> memref<128x32xf32, #tpu.memory_space<hbm>>
      %dma_start3A_132 = arith.constant 0 : i32
      %dma_start3A_133 = tpu.memref_slice %arg4[%mul3A_129, %dma_start3A_132] : memref<425984x32xf32, #tpu.memory_space<hbm>> -> memref<128x32xf32, #tpu.memory_space<hbm>>
      tpu.enqueue_dma source(%arg8 : memref<128x32xf32, #tpu.memory_space<vmem>>) target(%dma_start3A_133 : memref<128x32xf32, #tpu.memory_space<hbm>>) target_semaphore(%arg24 : memref<!tpu.dma_semaphore, #tpu.memory_space<semaphore_mem>>)
      %add3A_134 = arith.constant 4 : i32
      %add3A_135 = arith.addi %add3A_120, %add3A_134 : i32
      %ge3A_136 = arith.constant 8 : i32
      %ge3A_137 = arith.cmpi sge, %add3A_135, %ge3A_136 : i32
      %convert_element_type3A_138 = arith.extui %ge3A_137 : i1 to i32
      %cond3A_139 = arith.constant 0 : i32
      %cond3A_140 = arith.cmpi ne, %convert_element_type3A_138, %cond3A_139 : i32
      scf.if %cond3A_140 {
        %dma_wait3A_303 = arith.constant 0 : i32
        %dma_wait3A_304 = arith.constant 0 : i32
        %dma_wait3A_305 = tpu.memref_slice %arg4[%dma_wait3A_303, %dma_wait3A_304] : memref<425984x32xf32, #tpu.memory_space<hbm>> -> memref<128x32xf32, #tpu.memory_space<hbm>>
        %dma_wait3A_306 = arith.constant 0 : i32
        %dma_wait3A_307 = arith.constant 0 : i32
        %dma_wait3A_308 = tpu.memref_slice %arg4[%dma_wait3A_306, %dma_wait3A_307] : memref<425984x32xf32, #tpu.memory_space<hbm>> -> memref<128x32xf32, #tpu.memory_space<hbm>>
        tpu.wait_dma2 semaphore(%arg28 : memref<!tpu.dma_semaphore, #tpu.memory_space<semaphore_mem>>) src(%arg12 : memref<128x32xf32, #tpu.memory_space<vmem>>) dst(%dma_wait3A_308 : memref<128x32xf32, #tpu.memory_space<hbm>>)
      } else {
      }
      %add3A_141 = arith.constant 4 : i32
      %add3A_142 = arith.addi %add3A_120, %add3A_141 : i32
      %lt3A_143 = arith.constant 104 : i32
      %lt3A_144 = arith.cmpi slt, %add3A_142, %lt3A_143 : i32
      %convert_element_type3A_145 = arith.extui %lt3A_144 : i1 to i32
      %cond3A_146 = arith.constant 0 : i32
      %cond3A_147 = arith.cmpi ne, %convert_element_type3A_145, %cond3A_146 : i32
      scf.if %cond3A_147 {
        %add3A_303 = arith.constant 4 : i32
        %add3A_304 = arith.addi %add3A_120, %add3A_303 : i32
        %dma_start3A_305 = arith.constant 0 : i32
        %dma_start3A_306 = tpu.memref_slice %arg5[%add3A_304, %dma_start3A_305] : memref<104x128xi32, #tpu.memory_space<vmem>> -> memref<1x128xi32, #tpu.memory_space<vmem>>
        %dma_start3A_307 = tpu.memref_squeeze %dma_start3A_306 : memref<1x128xi32, #tpu.memory_space<vmem>> -> memref<128xi32, #tpu.memory_space<vmem>>
        %dma_start3A_308 = arith.constant 0 : i32
        %dma_start3A_309 = arith.constant 0 : i32
        %dma_start3A_310 = tpu.memref_slice %arg3[%dma_start3A_308, %dma_start3A_309] : memref<2600000x32xf32, #tpu.memory_space<hbm>> -> memref<2600000x32xf32, #tpu.memory_space<hbm>>
        tpu.enqueue_indirect_dma source(%dma_start3A_310 : memref<2600000x32xf32, #tpu.memory_space<hbm>>) target(%arg12 : memref<128x32xf32, #tpu.memory_space<vmem>>) offsets(%dma_start3A_307 : memref<128xi32, #tpu.memory_space<vmem>>) semaphore(%arg20 : memref<!tpu.dma_semaphore, #tpu.memory_space<semaphore_mem>>)
      } else {
      }
      %mul3A_148 = arith.constant 8 : i32
      %mul3A_149 = arith.muli %scan3A_58, %mul3A_148 : i32
      %add3A_150 = arith.constant 3 : i32
      %add3A_151 = arith.addi %mul3A_149, %add3A_150 : i32
      %dma_wait3A_152 = arith.constant 0 : i32
      %dma_wait3A_153 = tpu.memref_slice %arg5[%add3A_151, %dma_wait3A_152] : memref<104x128xi32, #tpu.memory_space<vmem>> -> memref<1x128xi32, #tpu.memory_space<vmem>>
      %dma_wait3A_154 = tpu.memref_squeeze %dma_wait3A_153 : memref<1x128xi32, #tpu.memory_space<vmem>> -> memref<128xi32, #tpu.memory_space<vmem>>
      %dma_wait3A_155 = arith.constant 0 : i32
      %dma_wait3A_156 = arith.constant 0 : i32
      %dma_wait3A_157 = tpu.memref_slice %arg3[%dma_wait3A_155, %dma_wait3A_156] : memref<2600000x32xf32, #tpu.memory_space<hbm>> -> memref<2600000x32xf32, #tpu.memory_space<hbm>>
      tpu.wait_indirect_dma semaphore(%arg17 : memref<!tpu.dma_semaphore, #tpu.memory_space<semaphore_mem>>) src(%dma_wait3A_157 : memref<2600000x32xf32, #tpu.memory_space<hbm>>) dst(%arg9 : memref<128x32xf32, #tpu.memory_space<vmem>>)
      %add3A_158 = arith.addi %mul3A_2, %add3A_151 : i32
      %mul3A_159 = arith.constant 128 : i32
      %mul3A_160 = arith.muli %add3A_158, %mul3A_159 : i32
      %dma_start3A_161 = arith.constant 0 : i32
      %dma_start3A_162 = tpu.memref_slice %arg4[%mul3A_160, %dma_start3A_161] : memref<425984x32xf32, #tpu.memory_space<hbm>> -> memref<128x32xf32, #tpu.memory_space<hbm>>
      %dma_start3A_163 = arith.constant 0 : i32
      %dma_start3A_164 = tpu.memref_slice %arg4[%mul3A_160, %dma_start3A_163] : memref<425984x32xf32, #tpu.memory_space<hbm>> -> memref<128x32xf32, #tpu.memory_space<hbm>>
      tpu.enqueue_dma source(%arg9 : memref<128x32xf32, #tpu.memory_space<vmem>>) target(%dma_start3A_164 : memref<128x32xf32, #tpu.memory_space<hbm>>) target_semaphore(%arg25 : memref<!tpu.dma_semaphore, #tpu.memory_space<semaphore_mem>>)
      %add3A_165 = arith.constant 4 : i32
      %add3A_166 = arith.addi %add3A_151, %add3A_165 : i32
      %ge3A_167 = arith.constant 8 : i32
      %ge3A_168 = arith.cmpi sge, %add3A_166, %ge3A_167 : i32
      %convert_element_type3A_169 = arith.extui %ge3A_168 : i1 to i32
      %cond3A_170 = arith.constant 0 : i32
      %cond3A_171 = arith.cmpi ne, %convert_element_type3A_169, %cond3A_170 : i32
      scf.if %cond3A_171 {
        %dma_wait3A_303 = arith.constant 0 : i32
        %dma_wait3A_304 = arith.constant 0 : i32
        %dma_wait3A_305 = tpu.memref_slice %arg4[%dma_wait3A_303, %dma_wait3A_304] : memref<425984x32xf32, #tpu.memory_space<hbm>> -> memref<128x32xf32, #tpu.memory_space<hbm>>
        %dma_wait3A_306 = arith.constant 0 : i32
        %dma_wait3A_307 = arith.constant 0 : i32
        %dma_wait3A_308 = tpu.memref_slice %arg4[%dma_wait3A_306, %dma_wait3A_307] : memref<425984x32xf32, #tpu.memory_space<hbm>> -> memref<128x32xf32, #tpu.memory_space<hbm>>
        tpu.wait_dma2 semaphore(%arg29 : memref<!tpu.dma_semaphore, #tpu.memory_space<semaphore_mem>>) src(%arg13 : memref<128x32xf32, #tpu.memory_space<vmem>>) dst(%dma_wait3A_308 : memref<128x32xf32, #tpu.memory_space<hbm>>)
      } else {
      }
      %add3A_172 = arith.constant 4 : i32
      %add3A_173 = arith.addi %add3A_151, %add3A_172 : i32
      %lt3A_174 = arith.constant 104 : i32
      %lt3A_175 = arith.cmpi slt, %add3A_173, %lt3A_174 : i32
      %convert_element_type3A_176 = arith.extui %lt3A_175 : i1 to i32
      %cond3A_177 = arith.constant 0 : i32
      %cond3A_178 = arith.cmpi ne, %convert_element_type3A_176, %cond3A_177 : i32
      scf.if %cond3A_178 {
        %add3A_303 = arith.constant 4 : i32
        %add3A_304 = arith.addi %add3A_151, %add3A_303 : i32
        %dma_start3A_305 = arith.constant 0 : i32
        %dma_start3A_306 = tpu.memref_slice %arg5[%add3A_304, %dma_start3A_305] : memref<104x128xi32, #tpu.memory_space<vmem>> -> memref<1x128xi32, #tpu.memory_space<vmem>>
        %dma_start3A_307 = tpu.memref_squeeze %dma_start3A_306 : memref<1x128xi32, #tpu.memory_space<vmem>> -> memref<128xi32, #tpu.memory_space<vmem>>
        %dma_start3A_308 = arith.constant 0 : i32
        %dma_start3A_309 = arith.constant 0 : i32
        %dma_start3A_310 = tpu.memref_slice %arg3[%dma_start3A_308, %dma_start3A_309] : memref<2600000x32xf32, #tpu.memory_space<hbm>> -> memref<2600000x32xf32, #tpu.memory_space<hbm>>
        tpu.enqueue_indirect_dma source(%dma_start3A_310 : memref<2600000x32xf32, #tpu.memory_space<hbm>>) target(%arg13 : memref<128x32xf32, #tpu.memory_space<vmem>>) offsets(%dma_start3A_307 : memref<128xi32, #tpu.memory_space<vmem>>) semaphore(%arg21 : memref<!tpu.dma_semaphore, #tpu.memory_space<semaphore_mem>>)
      } else {
      }
      %mul3A_179 = arith.constant 8 : i32
      %mul3A_180 = arith.muli %scan3A_58, %mul3A_179 : i32
      %add3A_181 = arith.constant 4 : i32
      %add3A_182 = arith.addi %mul3A_180, %add3A_181 : i32
      %dma_wait3A_183 = arith.constant 0 : i32
      %dma_wait3A_184 = tpu.memref_slice %arg5[%add3A_182, %dma_wait3A_183] : memref<104x128xi32, #tpu.memory_space<vmem>> -> memref<1x128xi32, #tpu.memory_space<vmem>>
      %dma_wait3A_185 = tpu.memref_squeeze %dma_wait3A_184 : memref<1x128xi32, #tpu.memory_space<vmem>> -> memref<128xi32, #tpu.memory_space<vmem>>
      %dma_wait3A_186 = arith.constant 0 : i32
      %dma_wait3A_187 = arith.constant 0 : i32
      %dma_wait3A_188 = tpu.memref_slice %arg3[%dma_wait3A_186, %dma_wait3A_187] : memref<2600000x32xf32, #tpu.memory_space<hbm>> -> memref<2600000x32xf32, #tpu.memory_space<hbm>>
      tpu.wait_indirect_dma semaphore(%arg18 : memref<!tpu.dma_semaphore, #tpu.memory_space<semaphore_mem>>) src(%dma_wait3A_188 : memref<2600000x32xf32, #tpu.memory_space<hbm>>) dst(%arg10 : memref<128x32xf32, #tpu.memory_space<vmem>>)
      %add3A_189 = arith.addi %mul3A_2, %add3A_182 : i32
      %mul3A_190 = arith.constant 128 : i32
      %mul3A_191 = arith.muli %add3A_189, %mul3A_190 : i32
      %dma_start3A_192 = arith.constant 0 : i32
      %dma_start3A_193 = tpu.memref_slice %arg4[%mul3A_191, %dma_start3A_192] : memref<425984x32xf32, #tpu.memory_space<hbm>> -> memref<128x32xf32, #tpu.memory_space<hbm>>
      %dma_start3A_194 = arith.constant 0 : i32
      %dma_start3A_195 = tpu.memref_slice %arg4[%mul3A_191, %dma_start3A_194] : memref<425984x32xf32, #tpu.memory_space<hbm>> -> memref<128x32xf32, #tpu.memory_space<hbm>>
      tpu.enqueue_dma source(%arg10 : memref<128x32xf32, #tpu.memory_space<vmem>>) target(%dma_start3A_195 : memref<128x32xf32, #tpu.memory_space<hbm>>) target_semaphore(%arg26 : memref<!tpu.dma_semaphore, #tpu.memory_space<semaphore_mem>>)
      %add3A_196 = arith.constant 4 : i32
      %add3A_197 = arith.addi %add3A_182, %add3A_196 : i32
      %ge3A_198 = arith.constant 8 : i32
      %ge3A_199 = arith.cmpi sge, %add3A_197, %ge3A_198 : i32
      %convert_element_type3A_200 = arith.extui %ge3A_199 : i1 to i32
      %cond3A_201 = arith.constant 0 : i32
      %cond3A_202 = arith.cmpi ne, %convert_element_type3A_200, %cond3A_201 : i32
      scf.if %cond3A_202 {
        %dma_wait3A_303 = arith.constant 0 : i32
        %dma_wait3A_304 = arith.constant 0 : i32
        %dma_wait3A_305 = tpu.memref_slice %arg4[%dma_wait3A_303, %dma_wait3A_304] : memref<425984x32xf32, #tpu.memory_space<hbm>> -> memref<128x32xf32, #tpu.memory_space<hbm>>
        %dma_wait3A_306 = arith.constant 0 : i32
        %dma_wait3A_307 = arith.constant 0 : i32
        %dma_wait3A_308 = tpu.memref_slice %arg4[%dma_wait3A_306, %dma_wait3A_307] : memref<425984x32xf32, #tpu.memory_space<hbm>> -> memref<128x32xf32, #tpu.memory_space<hbm>>
        tpu.wait_dma2 semaphore(%arg22 : memref<!tpu.dma_semaphore, #tpu.memory_space<semaphore_mem>>) src(%arg6 : memref<128x32xf32, #tpu.memory_space<vmem>>) dst(%dma_wait3A_308 : memref<128x32xf32, #tpu.memory_space<hbm>>)
      } else {
      }
      %add3A_203 = arith.constant 4 : i32
      %add3A_204 = arith.addi %add3A_182, %add3A_203 : i32
      %lt3A_205 = arith.constant 104 : i32
      %lt3A_206 = arith.cmpi slt, %add3A_204, %lt3A_205 : i32
      %convert_element_type3A_207 = arith.extui %lt3A_206 : i1 to i32
      %cond3A_208 = arith.constant 0 : i32
      %cond3A_209 = arith.cmpi ne, %convert_element_type3A_207, %cond3A_208 : i32
      scf.if %cond3A_209 {
        %add3A_303 = arith.constant 4 : i32
        %add3A_304 = arith.addi %add3A_182, %add3A_303 : i32
        %dma_start3A_305 = arith.constant 0 : i32
        %dma_start3A_306 = tpu.memref_slice %arg5[%add3A_304, %dma_start3A_305] : memref<104x128xi32, #tpu.memory_space<vmem>> -> memref<1x128xi32, #tpu.memory_space<vmem>>
        %dma_start3A_307 = tpu.memref_squeeze %dma_start3A_306 : memref<1x128xi32, #tpu.memory_space<vmem>> -> memref<128xi32, #tpu.memory_space<vmem>>
        %dma_start3A_308 = arith.constant 0 : i32
        %dma_start3A_309 = arith.constant 0 : i32
        %dma_start3A_310 = tpu.memref_slice %arg3[%dma_start3A_308, %dma_start3A_309] : memref<2600000x32xf32, #tpu.memory_space<hbm>> -> memref<2600000x32xf32, #tpu.memory_space<hbm>>
        tpu.enqueue_indirect_dma source(%dma_start3A_310 : memref<2600000x32xf32, #tpu.memory_space<hbm>>) target(%arg6 : memref<128x32xf32, #tpu.memory_space<vmem>>) offsets(%dma_start3A_307 : memref<128xi32, #tpu.memory_space<vmem>>) semaphore(%arg14 : memref<!tpu.dma_semaphore, #tpu.memory_space<semaphore_mem>>)
      } else {
      }
      %mul3A_210 = arith.constant 8 : i32
      %mul3A_211 = arith.muli %scan3A_58, %mul3A_210 : i32
      %add3A_212 = arith.constant 5 : i32
      %add3A_213 = arith.addi %mul3A_211, %add3A_212 : i32
      %dma_wait3A_214 = arith.constant 0 : i32
      %dma_wait3A_215 = tpu.memref_slice %arg5[%add3A_213, %dma_wait3A_214] : memref<104x128xi32, #tpu.memory_space<vmem>> -> memref<1x128xi32, #tpu.memory_space<vmem>>
      %dma_wait3A_216 = tpu.memref_squeeze %dma_wait3A_215 : memref<1x128xi32, #tpu.memory_space<vmem>> -> memref<128xi32, #tpu.memory_space<vmem>>
      %dma_wait3A_217 = arith.constant 0 : i32
      %dma_wait3A_218 = arith.constant 0 : i32
      %dma_wait3A_219 = tpu.memref_slice %arg3[%dma_wait3A_217, %dma_wait3A_218] : memref<2600000x32xf32, #tpu.memory_space<hbm>> -> memref<2600000x32xf32, #tpu.memory_space<hbm>>
      tpu.wait_indirect_dma semaphore(%arg19 : memref<!tpu.dma_semaphore, #tpu.memory_space<semaphore_mem>>) src(%dma_wait3A_219 : memref<2600000x32xf32, #tpu.memory_space<hbm>>) dst(%arg11 : memref<128x32xf32, #tpu.memory_space<vmem>>)
      %add3A_220 = arith.addi %mul3A_2, %add3A_213 : i32
      %mul3A_221 = arith.constant 128 : i32
      %mul3A_222 = arith.muli %add3A_220, %mul3A_221 : i32
      %dma_start3A_223 = arith.constant 0 : i32
      %dma_start3A_224 = tpu.memref_slice %arg4[%mul3A_222, %dma_start3A_223] : memref<425984x32xf32, #tpu.memory_space<hbm>> -> memref<128x32xf32, #tpu.memory_space<hbm>>
      %dma_start3A_225 = arith.constant 0 : i32
      %dma_start3A_226 = tpu.memref_slice %arg4[%mul3A_222, %dma_start3A_225] : memref<425984x32xf32, #tpu.memory_space<hbm>> -> memref<128x32xf32, #tpu.memory_space<hbm>>
      tpu.enqueue_dma source(%arg11 : memref<128x32xf32, #tpu.memory_space<vmem>>) target(%dma_start3A_226 : memref<128x32xf32, #tpu.memory_space<hbm>>) target_semaphore(%arg27 : memref<!tpu.dma_semaphore, #tpu.memory_space<semaphore_mem>>)
      %add3A_227 = arith.constant 4 : i32
      %add3A_228 = arith.addi %add3A_213, %add3A_227 : i32
      %ge3A_229 = arith.constant 8 : i32
      %ge3A_230 = arith.cmpi sge, %add3A_228, %ge3A_229 : i32
      %convert_element_type3A_231 = arith.extui %ge3A_230 : i1 to i32
      %cond3A_232 = arith.constant 0 : i32
      %cond3A_233 = arith.cmpi ne, %convert_element_type3A_231, %cond3A_232 : i32
      scf.if %cond3A_233 {
        %dma_wait3A_303 = arith.constant 0 : i32
        %dma_wait3A_304 = arith.constant 0 : i32
        %dma_wait3A_305 = tpu.memref_slice %arg4[%dma_wait3A_303, %dma_wait3A_304] : memref<425984x32xf32, #tpu.memory_space<hbm>> -> memref<128x32xf32, #tpu.memory_space<hbm>>
        %dma_wait3A_306 = arith.constant 0 : i32
        %dma_wait3A_307 = arith.constant 0 : i32
        %dma_wait3A_308 = tpu.memref_slice %arg4[%dma_wait3A_306, %dma_wait3A_307] : memref<425984x32xf32, #tpu.memory_space<hbm>> -> memref<128x32xf32, #tpu.memory_space<hbm>>
        tpu.wait_dma2 semaphore(%arg23 : memref<!tpu.dma_semaphore, #tpu.memory_space<semaphore_mem>>) src(%arg7 : memref<128x32xf32, #tpu.memory_space<vmem>>) dst(%dma_wait3A_308 : memref<128x32xf32, #tpu.memory_space<hbm>>)
      } else {
      }
      %add3A_234 = arith.constant 4 : i32
      %add3A_235 = arith.addi %add3A_213, %add3A_234 : i32
      %lt3A_236 = arith.constant 104 : i32
      %lt3A_237 = arith.cmpi slt, %add3A_235, %lt3A_236 : i32
      %convert_element_type3A_238 = arith.extui %lt3A_237 : i1 to i32
      %cond3A_239 = arith.constant 0 : i32
      %cond3A_240 = arith.cmpi ne, %convert_element_type3A_238, %cond3A_239 : i32
      scf.if %cond3A_240 {
        %add3A_303 = arith.constant 4 : i32
        %add3A_304 = arith.addi %add3A_213, %add3A_303 : i32
        %dma_start3A_305 = arith.constant 0 : i32
        %dma_start3A_306 = tpu.memref_slice %arg5[%add3A_304, %dma_start3A_305] : memref<104x128xi32, #tpu.memory_space<vmem>> -> memref<1x128xi32, #tpu.memory_space<vmem>>
        %dma_start3A_307 = tpu.memref_squeeze %dma_start3A_306 : memref<1x128xi32, #tpu.memory_space<vmem>> -> memref<128xi32, #tpu.memory_space<vmem>>
        %dma_start3A_308 = arith.constant 0 : i32
        %dma_start3A_309 = arith.constant 0 : i32
        %dma_start3A_310 = tpu.memref_slice %arg3[%dma_start3A_308, %dma_start3A_309] : memref<2600000x32xf32, #tpu.memory_space<hbm>> -> memref<2600000x32xf32, #tpu.memory_space<hbm>>
        tpu.enqueue_indirect_dma source(%dma_start3A_310 : memref<2600000x32xf32, #tpu.memory_space<hbm>>) target(%arg7 : memref<128x32xf32, #tpu.memory_space<vmem>>) offsets(%dma_start3A_307 : memref<128xi32, #tpu.memory_space<vmem>>) semaphore(%arg15 : memref<!tpu.dma_semaphore, #tpu.memory_space<semaphore_mem>>)
      } else {
      }
      %mul3A_241 = arith.constant 8 : i32
      %mul3A_242 = arith.muli %scan3A_58, %mul3A_241 : i32
      %add3A_243 = arith.constant 6 : i32
      %add3A_244 = arith.addi %mul3A_242, %add3A_243 : i32
      %dma_wait3A_245 = arith.constant 0 : i32
      %dma_wait3A_246 = tpu.memref_slice %arg5[%add3A_244, %dma_wait3A_245] : memref<104x128xi32, #tpu.memory_space<vmem>> -> memref<1x128xi32, #tpu.memory_space<vmem>>
      %dma_wait3A_247 = tpu.memref_squeeze %dma_wait3A_246 : memref<1x128xi32, #tpu.memory_space<vmem>> -> memref<128xi32, #tpu.memory_space<vmem>>
      %dma_wait3A_248 = arith.constant 0 : i32
      %dma_wait3A_249 = arith.constant 0 : i32
      %dma_wait3A_250 = tpu.memref_slice %arg3[%dma_wait3A_248, %dma_wait3A_249] : memref<2600000x32xf32, #tpu.memory_space<hbm>> -> memref<2600000x32xf32, #tpu.memory_space<hbm>>
      tpu.wait_indirect_dma semaphore(%arg20 : memref<!tpu.dma_semaphore, #tpu.memory_space<semaphore_mem>>) src(%dma_wait3A_250 : memref<2600000x32xf32, #tpu.memory_space<hbm>>) dst(%arg12 : memref<128x32xf32, #tpu.memory_space<vmem>>)
      %add3A_251 = arith.addi %mul3A_2, %add3A_244 : i32
      %mul3A_252 = arith.constant 128 : i32
      %mul3A_253 = arith.muli %add3A_251, %mul3A_252 : i32
      %dma_start3A_254 = arith.constant 0 : i32
      %dma_start3A_255 = tpu.memref_slice %arg4[%mul3A_253, %dma_start3A_254] : memref<425984x32xf32, #tpu.memory_space<hbm>> -> memref<128x32xf32, #tpu.memory_space<hbm>>
      %dma_start3A_256 = arith.constant 0 : i32
      %dma_start3A_257 = tpu.memref_slice %arg4[%mul3A_253, %dma_start3A_256] : memref<425984x32xf32, #tpu.memory_space<hbm>> -> memref<128x32xf32, #tpu.memory_space<hbm>>
      tpu.enqueue_dma source(%arg12 : memref<128x32xf32, #tpu.memory_space<vmem>>) target(%dma_start3A_257 : memref<128x32xf32, #tpu.memory_space<hbm>>) target_semaphore(%arg28 : memref<!tpu.dma_semaphore, #tpu.memory_space<semaphore_mem>>)
      %add3A_258 = arith.constant 4 : i32
      %add3A_259 = arith.addi %add3A_244, %add3A_258 : i32
      %ge3A_260 = arith.constant 8 : i32
      %ge3A_261 = arith.cmpi sge, %add3A_259, %ge3A_260 : i32
      %convert_element_type3A_262 = arith.extui %ge3A_261 : i1 to i32
      %cond3A_263 = arith.constant 0 : i32
      %cond3A_264 = arith.cmpi ne, %convert_element_type3A_262, %cond3A_263 : i32
      scf.if %cond3A_264 {
        %dma_wait3A_303 = arith.constant 0 : i32
        %dma_wait3A_304 = arith.constant 0 : i32
        %dma_wait3A_305 = tpu.memref_slice %arg4[%dma_wait3A_303, %dma_wait3A_304] : memref<425984x32xf32, #tpu.memory_space<hbm>> -> memref<128x32xf32, #tpu.memory_space<hbm>>
        %dma_wait3A_306 = arith.constant 0 : i32
        %dma_wait3A_307 = arith.constant 0 : i32
        %dma_wait3A_308 = tpu.memref_slice %arg4[%dma_wait3A_306, %dma_wait3A_307] : memref<425984x32xf32, #tpu.memory_space<hbm>> -> memref<128x32xf32, #tpu.memory_space<hbm>>
        tpu.wait_dma2 semaphore(%arg24 : memref<!tpu.dma_semaphore, #tpu.memory_space<semaphore_mem>>) src(%arg8 : memref<128x32xf32, #tpu.memory_space<vmem>>) dst(%dma_wait3A_308 : memref<128x32xf32, #tpu.memory_space<hbm>>)
      } else {
      }
      %add3A_265 = arith.constant 4 : i32
      %add3A_266 = arith.addi %add3A_244, %add3A_265 : i32
      %lt3A_267 = arith.constant 104 : i32
      %lt3A_268 = arith.cmpi slt, %add3A_266, %lt3A_267 : i32
      %convert_element_type3A_269 = arith.extui %lt3A_268 : i1 to i32
      %cond3A_270 = arith.constant 0 : i32
      %cond3A_271 = arith.cmpi ne, %convert_element_type3A_269, %cond3A_270 : i32
      scf.if %cond3A_271 {
        %add3A_303 = arith.constant 4 : i32
        %add3A_304 = arith.addi %add3A_244, %add3A_303 : i32
        %dma_start3A_305 = arith.constant 0 : i32
        %dma_start3A_306 = tpu.memref_slice %arg5[%add3A_304, %dma_start3A_305] : memref<104x128xi32, #tpu.memory_space<vmem>> -> memref<1x128xi32, #tpu.memory_space<vmem>>
        %dma_start3A_307 = tpu.memref_squeeze %dma_start3A_306 : memref<1x128xi32, #tpu.memory_space<vmem>> -> memref<128xi32, #tpu.memory_space<vmem>>
        %dma_start3A_308 = arith.constant 0 : i32
        %dma_start3A_309 = arith.constant 0 : i32
        %dma_start3A_310 = tpu.memref_slice %arg3[%dma_start3A_308, %dma_start3A_309] : memref<2600000x32xf32, #tpu.memory_space<hbm>> -> memref<2600000x32xf32, #tpu.memory_space<hbm>>
        tpu.enqueue_indirect_dma source(%dma_start3A_310 : memref<2600000x32xf32, #tpu.memory_space<hbm>>) target(%arg8 : memref<128x32xf32, #tpu.memory_space<vmem>>) offsets(%dma_start3A_307 : memref<128xi32, #tpu.memory_space<vmem>>) semaphore(%arg16 : memref<!tpu.dma_semaphore, #tpu.memory_space<semaphore_mem>>)
      } else {
      }
      %mul3A_272 = arith.constant 8 : i32
      %mul3A_273 = arith.muli %scan3A_58, %mul3A_272 : i32
      %add3A_274 = arith.constant 7 : i32
      %add3A_275 = arith.addi %mul3A_273, %add3A_274 : i32
      %dma_wait3A_276 = arith.constant 0 : i32
      %dma_wait3A_277 = tpu.memref_slice %arg5[%add3A_275, %dma_wait3A_276] : memref<104x128xi32, #tpu.memory_space<vmem>> -> memref<1x128xi32, #tpu.memory_space<vmem>>
      %dma_wait3A_278 = tpu.memref_squeeze %dma_wait3A_277 : memref<1x128xi32, #tpu.memory_space<vmem>> -> memref<128xi32, #tpu.memory_space<vmem>>
      %dma_wait3A_279 = arith.constant 0 : i32
      %dma_wait3A_280 = arith.constant 0 : i32
      %dma_wait3A_281 = tpu.memref_slice %arg3[%dma_wait3A_279, %dma_wait3A_280] : memref<2600000x32xf32, #tpu.memory_space<hbm>> -> memref<2600000x32xf32, #tpu.memory_space<hbm>>
      tpu.wait_indirect_dma semaphore(%arg21 : memref<!tpu.dma_semaphore, #tpu.memory_space<semaphore_mem>>) src(%dma_wait3A_281 : memref<2600000x32xf32, #tpu.memory_space<hbm>>) dst(%arg13 : memref<128x32xf32, #tpu.memory_space<vmem>>)
      %add3A_282 = arith.addi %mul3A_2, %add3A_275 : i32
      %mul3A_283 = arith.constant 128 : i32
      %mul3A_284 = arith.muli %add3A_282, %mul3A_283 : i32
      %dma_start3A_285 = arith.constant 0 : i32
      %dma_start3A_286 = tpu.memref_slice %arg4[%mul3A_284, %dma_start3A_285] : memref<425984x32xf32, #tpu.memory_space<hbm>> -> memref<128x32xf32, #tpu.memory_space<hbm>>
      %dma_start3A_287 = arith.constant 0 : i32
      %dma_start3A_288 = tpu.memref_slice %arg4[%mul3A_284, %dma_start3A_287] : memref<425984x32xf32, #tpu.memory_space<hbm>> -> memref<128x32xf32, #tpu.memory_space<hbm>>
      tpu.enqueue_dma source(%arg13 : memref<128x32xf32, #tpu.memory_space<vmem>>) target(%dma_start3A_288 : memref<128x32xf32, #tpu.memory_space<hbm>>) target_semaphore(%arg29 : memref<!tpu.dma_semaphore, #tpu.memory_space<semaphore_mem>>)
      %add3A_289 = arith.constant 4 : i32
      %add3A_290 = arith.addi %add3A_275, %add3A_289 : i32
      %ge3A_291 = arith.constant 8 : i32
      %ge3A_292 = arith.cmpi sge, %add3A_290, %ge3A_291 : i32
      %convert_element_type3A_293 = arith.extui %ge3A_292 : i1 to i32
      %cond3A_294 = arith.constant 0 : i32
      %cond3A_295 = arith.cmpi ne, %convert_element_type3A_293, %cond3A_294 : i32
      scf.if %cond3A_295 {
        %dma_wait3A_303 = arith.constant 0 : i32
        %dma_wait3A_304 = arith.constant 0 : i32
        %dma_wait3A_305 = tpu.memref_slice %arg4[%dma_wait3A_303, %dma_wait3A_304] : memref<425984x32xf32, #tpu.memory_space<hbm>> -> memref<128x32xf32, #tpu.memory_space<hbm>>
        %dma_wait3A_306 = arith.constant 0 : i32
        %dma_wait3A_307 = arith.constant 0 : i32
        %dma_wait3A_308 = tpu.memref_slice %arg4[%dma_wait3A_306, %dma_wait3A_307] : memref<425984x32xf32, #tpu.memory_space<hbm>> -> memref<128x32xf32, #tpu.memory_space<hbm>>
        tpu.wait_dma2 semaphore(%arg25 : memref<!tpu.dma_semaphore, #tpu.memory_space<semaphore_mem>>) src(%arg9 : memref<128x32xf32, #tpu.memory_space<vmem>>) dst(%dma_wait3A_308 : memref<128x32xf32, #tpu.memory_space<hbm>>)
      } else {
      }
      %add3A_296 = arith.constant 4 : i32
      %add3A_297 = arith.addi %add3A_275, %add3A_296 : i32
      %lt3A_298 = arith.constant 104 : i32
      %lt3A_299 = arith.cmpi slt, %add3A_297, %lt3A_298 : i32
      %convert_element_type3A_300 = arith.extui %lt3A_299 : i1 to i32
      %cond3A_301 = arith.constant 0 : i32
      %cond3A_302 = arith.cmpi ne, %convert_element_type3A_300, %cond3A_301 : i32
      scf.if %cond3A_302 {
        %add3A_303 = arith.constant 4 : i32
        %add3A_304 = arith.addi %add3A_275, %add3A_303 : i32
        %dma_start3A_305 = arith.constant 0 : i32
        %dma_start3A_306 = tpu.memref_slice %arg5[%add3A_304, %dma_start3A_305] : memref<104x128xi32, #tpu.memory_space<vmem>> -> memref<1x128xi32, #tpu.memory_space<vmem>>
        %dma_start3A_307 = tpu.memref_squeeze %dma_start3A_306 : memref<1x128xi32, #tpu.memory_space<vmem>> -> memref<128xi32, #tpu.memory_space<vmem>>
        %dma_start3A_308 = arith.constant 0 : i32
        %dma_start3A_309 = arith.constant 0 : i32
        %dma_start3A_310 = tpu.memref_slice %arg3[%dma_start3A_308, %dma_start3A_309] : memref<2600000x32xf32, #tpu.memory_space<hbm>> -> memref<2600000x32xf32, #tpu.memory_space<hbm>>
        tpu.enqueue_indirect_dma source(%dma_start3A_310 : memref<2600000x32xf32, #tpu.memory_space<hbm>>) target(%arg9 : memref<128x32xf32, #tpu.memory_space<vmem>>) offsets(%dma_start3A_307 : memref<128xi32, #tpu.memory_space<vmem>>) semaphore(%arg17 : memref<!tpu.dma_semaphore, #tpu.memory_space<semaphore_mem>>)
      } else {
      }
    }
    %scan3A_34 = arith.constant 13 : i32
    %dma_wait3A = arith.constant 0 : i32
    %dma_wait3A_35 = arith.constant 0 : i32
    %dma_wait3A_36 = tpu.memref_slice %arg4[%dma_wait3A, %dma_wait3A_35] : memref<425984x32xf32, #tpu.memory_space<hbm>> -> memref<128x32xf32, #tpu.memory_space<hbm>>
    %dma_wait3A_37 = arith.constant 0 : i32
    %dma_wait3A_38 = arith.constant 0 : i32
    %dma_wait3A_39 = tpu.memref_slice %arg4[%dma_wait3A_37, %dma_wait3A_38] : memref<425984x32xf32, #tpu.memory_space<hbm>> -> memref<128x32xf32, #tpu.memory_space<hbm>>
    tpu.wait_dma2 semaphore(%arg26 : memref<!tpu.dma_semaphore, #tpu.memory_space<semaphore_mem>>) src(%arg10 : memref<128x32xf32, #tpu.memory_space<vmem>>) dst(%dma_wait3A_39 : memref<128x32xf32, #tpu.memory_space<hbm>>)
    %dma_wait3A_40 = arith.constant 0 : i32
    %dma_wait3A_41 = arith.constant 0 : i32
    %dma_wait3A_42 = tpu.memref_slice %arg4[%dma_wait3A_40, %dma_wait3A_41] : memref<425984x32xf32, #tpu.memory_space<hbm>> -> memref<128x32xf32, #tpu.memory_space<hbm>>
    %dma_wait3A_43 = arith.constant 0 : i32
    %dma_wait3A_44 = arith.constant 0 : i32
    %dma_wait3A_45 = tpu.memref_slice %arg4[%dma_wait3A_43, %dma_wait3A_44] : memref<425984x32xf32, #tpu.memory_space<hbm>> -> memref<128x32xf32, #tpu.memory_space<hbm>>
    tpu.wait_dma2 semaphore(%arg27 : memref<!tpu.dma_semaphore, #tpu.memory_space<semaphore_mem>>) src(%arg11 : memref<128x32xf32, #tpu.memory_space<vmem>>) dst(%dma_wait3A_45 : memref<128x32xf32, #tpu.memory_space<hbm>>)
    %dma_wait3A_46 = arith.constant 0 : i32
    %dma_wait3A_47 = arith.constant 0 : i32
    %dma_wait3A_48 = tpu.memref_slice %arg4[%dma_wait3A_46, %dma_wait3A_47] : memref<425984x32xf32, #tpu.memory_space<hbm>> -> memref<128x32xf32, #tpu.memory_space<hbm>>
    %dma_wait3A_49 = arith.constant 0 : i32
    %dma_wait3A_50 = arith.constant 0 : i32
    %dma_wait3A_51 = tpu.memref_slice %arg4[%dma_wait3A_49, %dma_wait3A_50] : memref<425984x32xf32, #tpu.memory_space<hbm>> -> memref<128x32xf32, #tpu.memory_space<hbm>>
    tpu.wait_dma2 semaphore(%arg28 : memref<!tpu.dma_semaphore, #tpu.memory_space<semaphore_mem>>) src(%arg12 : memref<128x32xf32, #tpu.memory_space<vmem>>) dst(%dma_wait3A_51 : memref<128x32xf32, #tpu.memory_space<hbm>>)
    %dma_wait3A_52 = arith.constant 0 : i32
    %dma_wait3A_53 = arith.constant 0 : i32
    %dma_wait3A_54 = tpu.memref_slice %arg4[%dma_wait3A_52, %dma_wait3A_53] : memref<425984x32xf32, #tpu.memory_space<hbm>> -> memref<128x32xf32, #tpu.memory_space<hbm>>
    %dma_wait3A_55 = arith.constant 0 : i32
    %dma_wait3A_56 = arith.constant 0 : i32
    %dma_wait3A_57 = tpu.memref_slice %arg4[%dma_wait3A_55, %dma_wait3A_56] : memref<425984x32xf32, #tpu.memory_space<hbm>> -> memref<128x32xf32, #tpu.memory_space<hbm>>
    tpu.wait_dma2 semaphore(%arg29 : memref<!tpu.dma_semaphore, #tpu.memory_space<semaphore_mem>>) src(%arg13 : memref<128x32xf32, #tpu.memory_space<vmem>>) dst(%dma_wait3A_57 : memref<128x32xf32, #tpu.memory_space<hbm>>)
    return
  }
}

module attributes {stable_mosaic.version = 14 : i64} {
  func.func @_mlp_body(%arg0: i32, %arg1: memref<512x832xf32, #tpu.memory_space<vmem>>, %arg2: memref<512x16xf32, #tpu.memory_space<vmem>>, %arg3: memref<832x512xf32, #tpu.memory_space<vmem>>, %arg4: memref<16x512xf32, #tpu.memory_space<vmem>>, %arg5: memref<1x512xf32, #tpu.memory_space<vmem>>, %arg6: memref<512x256xf32, #tpu.memory_space<vmem>>, %arg7: memref<1x256xf32, #tpu.memory_space<vmem>>, %arg8: memref<256x128xf32, #tpu.memory_space<vmem>>, %arg9: memref<1x128xf32, #tpu.memory_space<vmem>>, %arg10: memref<512x128xf32, #tpu.memory_space<vmem>>) attributes {dimension_semantics = [#tpu.dimension_semantics<arbitrary>], iteration_bounds = array<i64: 32>, scalar_prefetch = 0 : i64, scratch_operands = 0 : i64, tpu.core_type = #tpu.core_type<tc>, window_params = [{transform_indices = @transform_0, window_bounds = array<i64: 512, 832>}, {transform_indices = @transform_1, window_bounds = array<i64: 512, 16>}, {pipeline_mode = #tpu.pipeline_mode<synchronous>, transform_indices = @transform_2, window_bounds = array<i64: 832, 512>}, {pipeline_mode = #tpu.pipeline_mode<synchronous>, transform_indices = @transform_3, window_bounds = array<i64: 16, 512>}, {pipeline_mode = #tpu.pipeline_mode<synchronous>, transform_indices = @transform_4, window_bounds = array<i64: 1, 512>}, {pipeline_mode = #tpu.pipeline_mode<synchronous>, transform_indices = @transform_5, window_bounds = array<i64: 512, 256>}, {pipeline_mode = #tpu.pipeline_mode<synchronous>, transform_indices = @transform_6, window_bounds = array<i64: 1, 256>}, {pipeline_mode = #tpu.pipeline_mode<synchronous>, transform_indices = @transform_7, window_bounds = array<i64: 256, 128>}, {pipeline_mode = #tpu.pipeline_mode<synchronous>, transform_indices = @transform_8, window_bounds = array<i64: 1, 128>}, {transform_indices = @transform_9, window_bounds = array<i64: 512, 128>}]} {
    %get3A = arith.constant 0 : index
    %get3A_0 = arith.constant 0 : index
    %get3A_1 = vector.load %arg1[%get3A, %get3A_0] : memref<512x832xf32, #tpu.memory_space<vmem>>, vector<512x832xf32>
    %get3A_2 = arith.constant 0 : index
    %get3A_3 = arith.constant 0 : index
    %get3A_4 = vector.load %arg3[%get3A_2, %get3A_3] : memref<832x512xf32, #tpu.memory_space<vmem>>, vector<832x512xf32>
    %dot_general3A = arith.constant dense<0.000000e+00> : vector<512x512xf32>
    %dot_general3A_5 = tpu.matmul %get3A_1, %get3A_4, %dot_general3A {dimension_numbers = #tpu.dot_dimension_numbers<[1], [0], [0], [1], [0, 0, 1, 1], [], []>, transpose_lhs_hint = false} : vector<512x832xf32>, vector<832x512xf32>, vector<512x512xf32> -> vector<512x512xf32>
    %get3A_6 = arith.constant 0 : index
    %get3A_7 = arith.constant 0 : index
    %get3A_8 = vector.load %arg2[%get3A_6, %get3A_7] : memref<512x16xf32, #tpu.memory_space<vmem>>, vector<512x16xf32>
    %get3A_9 = arith.constant 0 : index
    %get3A_10 = arith.constant 0 : index
    %get3A_11 = vector.load %arg4[%get3A_9, %get3A_10] : memref<16x512xf32, #tpu.memory_space<vmem>>, vector<16x512xf32>
    %dot_general3A_12 = arith.constant dense<0.000000e+00> : vector<512x512xf32>
    %dot_general3A_13 = tpu.matmul %get3A_8, %get3A_11, %dot_general3A_12 {dimension_numbers = #tpu.dot_dimension_numbers<[1], [0], [0], [1], [0, 0, 1, 1], [], []>, transpose_lhs_hint = false} : vector<512x16xf32>, vector<16x512xf32>, vector<512x512xf32> -> vector<512x512xf32>
    %add3A = arith.addf %dot_general3A_5, %dot_general3A_13 : vector<512x512xf32>
    %get3A_14 = arith.constant 0 : index
    %get3A_15 = arith.constant 0 : index
    %get3A_16 = vector.load %arg5[%get3A_14, %get3A_15] : memref<1x512xf32, #tpu.memory_space<vmem>>, vector<1x512xf32>
    %add3A_17 = vector.broadcast %get3A_16 : vector<1x512xf32> to vector<512x512xf32>
    %add3A_18 = arith.addf %add3A, %add3A_17 : vector<512x512xf32>
    %max3A = arith.constant 0.000000e+00 : f32
    %max3A_19 = vector.broadcast %max3A : f32 to vector<512x512xf32>
    %max3A_20 = arith.maximumf %add3A_18, %max3A_19 : vector<512x512xf32>
    %get3A_21 = arith.constant 0 : index
    %get3A_22 = arith.constant 0 : index
    %get3A_23 = vector.load %arg6[%get3A_21, %get3A_22] : memref<512x256xf32, #tpu.memory_space<vmem>>, vector<512x256xf32>
    %dot_general3A_24 = arith.constant dense<0.000000e+00> : vector<512x256xf32>
    %dot_general3A_25 = tpu.matmul %max3A_20, %get3A_23, %dot_general3A_24 {dimension_numbers = #tpu.dot_dimension_numbers<[1], [0], [0], [1], [0, 0, 1, 1], [], []>, transpose_lhs_hint = false} : vector<512x512xf32>, vector<512x256xf32>, vector<512x256xf32> -> vector<512x256xf32>
    %get3A_26 = arith.constant 0 : index
    %get3A_27 = arith.constant 0 : index
    %get3A_28 = vector.load %arg7[%get3A_26, %get3A_27] : memref<1x256xf32, #tpu.memory_space<vmem>>, vector<1x256xf32>
    %add3A_29 = vector.broadcast %get3A_28 : vector<1x256xf32> to vector<512x256xf32>
    %add3A_30 = arith.addf %dot_general3A_25, %add3A_29 : vector<512x256xf32>
    %max3A_31 = arith.constant 0.000000e+00 : f32
    %max3A_32 = vector.broadcast %max3A_31 : f32 to vector<512x256xf32>
    %max3A_33 = arith.maximumf %add3A_30, %max3A_32 : vector<512x256xf32>
    %get3A_34 = arith.constant 0 : index
    %get3A_35 = arith.constant 0 : index
    %get3A_36 = vector.load %arg8[%get3A_34, %get3A_35] : memref<256x128xf32, #tpu.memory_space<vmem>>, vector<256x128xf32>
    %dot_general3A_37 = arith.constant dense<0.000000e+00> : vector<512x128xf32>
    %dot_general3A_38 = tpu.matmul %max3A_33, %get3A_36, %dot_general3A_37 {dimension_numbers = #tpu.dot_dimension_numbers<[1], [0], [0], [1], [0, 0, 1, 1], [], []>, transpose_lhs_hint = false} : vector<512x256xf32>, vector<256x128xf32>, vector<512x128xf32> -> vector<512x128xf32>
    %get3A_39 = arith.constant 0 : index
    %get3A_40 = arith.constant 0 : index
    %get3A_41 = vector.load %arg9[%get3A_39, %get3A_40] : memref<1x128xf32, #tpu.memory_space<vmem>>, vector<1x128xf32>
    %add3A_42 = vector.broadcast %get3A_41 : vector<1x128xf32> to vector<512x128xf32>
    %add3A_43 = arith.addf %dot_general3A_38, %add3A_42 : vector<512x128xf32>
    %max3A_44 = arith.constant 0.000000e+00 : f32
    %max3A_45 = vector.broadcast %max3A_44 : f32 to vector<512x128xf32>
    %max3A_46 = arith.maximumf %add3A_43, %max3A_45 : vector<512x128xf32>
    %swap3A = arith.constant 0 : index
    %swap3A_47 = arith.constant 0 : index
    %swap3A_48 = vector.load %arg10[%swap3A, %swap3A_47] : memref<512x128xf32, #tpu.memory_space<vmem>>, vector<512x128xf32>
    tpu.vector_store %arg10[%swap3A, %swap3A_47], %max3A_46 {strides = array<i32>} : memref<512x128xf32, #tpu.memory_space<vmem>>, vector<512x128xf32>,
    return
  }
  func.func @transform_0(%arg0: i32) -> (i32, i32) {
    %c0_i32 = arith.constant 0 : i32
    %c0_i32_0 = arith.constant 0 : i32
    return %arg0, %c0_i32 : i32, i32
  }
  func.func @transform_1(%arg0: i32) -> (i32, i32) {
    %c0_i32 = arith.constant 0 : i32
    %c0_i32_0 = arith.constant 0 : i32
    return %arg0, %c0_i32 : i32, i32
  }
  func.func @transform_2(%arg0: i32) -> (i32, i32) {
    %c0_i32 = arith.constant 0 : i32
    %c0_i32_0 = arith.constant 0 : i32
    %c0_i32_1 = arith.constant 0 : i32
    return %c0_i32, %c0_i32_0 : i32, i32
  }
  func.func @transform_3(%arg0: i32) -> (i32, i32) {
    %c0_i32 = arith.constant 0 : i32
    %c0_i32_0 = arith.constant 0 : i32
    %c0_i32_1 = arith.constant 0 : i32
    return %c0_i32, %c0_i32_0 : i32, i32
  }
  func.func @transform_4(%arg0: i32) -> (i32, i32) {
    %c0_i32 = arith.constant 0 : i32
    %c0_i32_0 = arith.constant 0 : i32
    %c0_i32_1 = arith.constant 0 : i32
    return %c0_i32, %c0_i32_0 : i32, i32
  }
  func.func @transform_5(%arg0: i32) -> (i32, i32) {
    %c0_i32 = arith.constant 0 : i32
    %c0_i32_0 = arith.constant 0 : i32
    %c0_i32_1 = arith.constant 0 : i32
    return %c0_i32, %c0_i32_0 : i32, i32
  }
  func.func @transform_6(%arg0: i32) -> (i32, i32) {
    %c0_i32 = arith.constant 0 : i32
    %c0_i32_0 = arith.constant 0 : i32
    %c0_i32_1 = arith.constant 0 : i32
    return %c0_i32, %c0_i32_0 : i32, i32
  }
  func.func @transform_7(%arg0: i32) -> (i32, i32) {
    %c0_i32 = arith.constant 0 : i32
    %c0_i32_0 = arith.constant 0 : i32
    %c0_i32_1 = arith.constant 0 : i32
    return %c0_i32, %c0_i32_0 : i32, i32
  }
  func.func @transform_8(%arg0: i32) -> (i32, i32) {
    %c0_i32 = arith.constant 0 : i32
    %c0_i32_0 = arith.constant 0 : i32
    %c0_i32_1 = arith.constant 0 : i32
    return %c0_i32, %c0_i32_0 : i32, i32
  }
  func.func @transform_9(%arg0: i32) -> (i32, i32) {
    %c0_i32 = arith.constant 0 : i32
    %c0_i32_0 = arith.constant 0 : i32
    return %arg0, %c0_i32 : i32, i32
  }
}

</mosaic_0001>

<sc_bundles>
// kernel: kernel.4.cloned.1.call-start
scs
__scs_entry_jumppad:
0x0: {  	(pc) =	sbr.rel $0x88, $3  }
0x1: {  	(tag) =	ssettag $0x0;
	lr =	simm.s32 $0x1  }
0x2: {  	[smem:$0x3F98] =	sst lr;
	_ =	strace $0xD0000000  }
0x3: {  	_ = 	snop  }
0x4: {  	_ = 	snop  }
0x5: {  	_ = 	snop  }
0x6: {  	_ = 	snop  }
0x7: {  	_ = 	snop  }
__scs_overlays_trampoline_lowered:
0x8: {  	[smem:$0x3FA7] =	sst s0  }
0x9: {  	[smem:$0x3FA8] =	sst s1  }
0xa: {  	[smem:$0x3FA9] =	sst s2  }
0xb: {  	[smem:$0x3FAA] =	sst s3  }
0xc: {  	[smem:$0x3FAB] =	sst s4  }
0xd: {  	[smem:$0x3FAC] =	sst s5  }
0xe: {  	[smem:$0x3FAD] =	sst s6  }
0xf: {  	[smem:$0x3FAE] =	sst s7  }
0x10: {  	[smem:$0x3FAF] =	sst s8  }
0x11: {  	[smem:$0x3FB0] =	sst s9;
	s0 =	simm.s32 @!p0 $0x0  }
0x12: {  	s1 =	sld [smem:$0x3F96];
	s0 =	simm.s32 @p0 $0x1  }
0x13: {  	[smem:$0x3FB1] =	sst s0;
	s0 =	simm.s32 @!p1 $0x0  }
0x14: {  	s2 =	sld [smem:$0x3F95];
	s0 =	simm.s32 @p1 $0x1  }
0x15: {  	[smem:$0x3FB2] =	sst s0;
	s0 =	simm.s32 @!p2 $0x0  }
0x16: {  	s3 =	sld [smem:$0x3FDB];
	s0 =	simm.s32 @p2 $0x1  }
0x17: {  	s4 =	simm.s32 $0x1BF5;
	[smem:$0x3FB4] =	sst s0  }
0x18: {  	s0 =	sld [smem:$0x3F97];
	_ =	swait.ge [sflag:s4], $0x0  }
0x19: {  	s7 =	sld [smem:$0x3F98]  }
0x1a: {  	s8 =	sadd.s32 $0xFFFFE003, lr  }
0x1b: {  	s9 =	sadd.s32 $0xFFFFFEF7, lr;
	s5 =	simm.s32 $0xFFFFFFFF;
	p2 =	slt.u32 s8, $0xFFFFF086  }
0x1c: {  	p1 =	slt.u32 s9, $0xF7A;
	s5 =	simm.s32 @!p2 $0x0  }
0x1d: {  	s5 =	simm.s32 @p1 $0x1;
	p0 =	seq.s32 s7, s2  }
0x1e: {  	s7 =	smul.u32 @!p0 $0xF7A, s2;
	p2 =	seq.s32 @!p0 s5, $0x0  }
0x1f: {  	s9 =	smul.u32 $0xF7A, s1;
	s8 =	simm.s32 @!p0 $0x1BF5;
	p2 =	por !p2, p0  }
0x20: {  	[sflag:s8] =	ssyncset.s32 @!p0 $0xFFFFF086;
	s6 =	sadd.s32 @!p0 s3, s7;
	s7 =	simm.s32 @!p0 $0x108  }
0x21: {  	s3 =	sadd.s32 s3, s9;
	s6 =	sadd.s32 @!p0 $0x88, s6;
	s7 =	simm.s32 @p2 $0x1082  }
0x22: {  	[simem:s7], [sflag:s8] =	dma.local @!p0 [hbm:s6], $0xF7A  }
0x23: {  	s9 =	sor.u32 $0xD0000000, s2;
	s6 =	simm.s32 $0x108;
	_ =	swait.ge @!p0 [sflag:s8], $0x0  }
0x24: {  	s3 =	sadd.s32 $0x88, s3;
	s6 =	simm.s32 @!p1 $0x1082;
	[sflag:s4] =	ssyncset.s32 $0xFFFFF086  }
0x25: {  	[simem:s6], [sflag:s4] =	dma.local [hbm:s3], $0xF7A  }
0x26: {  	[smem:$0x3F98] =	sst s1;
	(tag) =	ssettag s2;
	_ =	strace s9  }
0x27: {  	s1 =	sld [smem:$0x3FA8]  }
0x28: {  	s2 =	sld [smem:$0x3FA9]  }
0x29: {  	s4 =	sld [smem:$0x3FAB]  }
0x2a: {  	p0 =	seq.s32 s5, $0x0;
	s5 =	sld [smem:$0x3FAC]  }
0x2b: {  	s6 =	sld [smem:$0x3FAD]  }
0x2c: {  	s7 =	sld [smem:$0x3FAE]  }
0x2d: {  	s3 =	simm.s32 $0x108;
	s8 =	sld [smem:$0x3FAF]  }
0x2e: {  	s3 =	simm.s32 @!p0 $0x1082;
	s9 =	sld [smem:$0x3FB0]  }
0x2f: {  	lr =	sadd.s32 s0, s3;
	s0 =	sld [smem:$0x3FA7]  }
0x30: {  	s3 =	sld [smem:$0x3FAA]  }
0x31: {  	[smem:$0x3FB3] =	sst s10  }
0x32: {  	s10 =	sld [smem:$0x3FB1];
	_ =	sdelay $0x3  }
0x33: {  	p0 =	seq.s32 s10, $0x1;
	s10 =	sld [smem:$0x3FB3];
	_ =	sdelay $0x3  }
0x34: {  	[smem:$0x3FB3] =	sst s10  }
0x35: {  	s10 =	sld [smem:$0x3FB2];
	_ =	sdelay $0x3  }
0x36: {  	p1 =	seq.s32 s10, $0x1;
	s10 =	sld [smem:$0x3FB3];
	_ =	sdelay $0x3  }
0x37: {  	[smem:$0x3FB3] =	sst s10  }
0x38: {  	s10 =	sld [smem:$0x3FB4]  }
0x39: {  	_ = 	snop;
	(pc) =	sbr.ind lr, $3  }
0x3a: {  	_ = 	snop  }
0x3b: {  	_ = 	snop  }
0x3c: {  	p2 =	seq.s32 s10, $0x1;
	s10 =	sld [smem:$0x3FB3]  }
0x3d: {  	_ =	shalt  }
0x3e: {  	_ =	shalt  }
0x3f: {  	_ =	shalt  }
0x40: {  	_ =	shalt  }
0x41: {  	_ =	shalt  }
0x42: {  	_ =	shalt  }
0x43: {  	_ =	shalt  }
0x44: {  	_ =	shalt  }
0x45: {  	_ =	shalt  }
0x46: {  	_ =	shalt  }
0x47: {  	_ =	shalt  }
0x48: {  	_ =	shalt  }
0x49: {  	_ =	shalt  }
0x4a: {  	_ =	shalt  }
0x4b: {  	_ =	shalt  }
0x4c: {  	_ =	shalt  }
0x4d: {  	_ =	shalt  }
0x4e: {  	_ =	shalt  }
0x4f: {  	_ =	shalt  }
0x50: {  	_ =	shalt  }
0x51: {  	_ =	shalt  }
0x52: {  	_ =	shalt  }
0x53: {  	_ =	shalt  }
0x54: {  	_ =	shalt  }
0x55: {  	_ =	shalt  }
0x56: {  	_ =	shalt  }
0x57: {  	_ =	shalt  }
0x58: {  	_ =	shalt  }
0x59: {  	_ =	shalt  }
0x5a: {  	_ =	shalt  }
0x5b: {  	_ =	shalt  }
0x5c: {  	_ =	shalt  }
0x5d: {  	_ =	shalt  }
0x5e: {  	_ =	shalt  }
0x5f: {  	_ =	shalt  }
0x60: {  	_ =	shalt  }
0x61: {  	_ =	shalt  }
0x62: {  	_ =	shalt  }
0x63: {  	_ =	shalt  }
0x64: {  	_ =	shalt  }
0x65: {  	_ =	shalt  }
0x66: {  	_ =	shalt  }
0x67: {  	_ =	shalt  }
0x68: {  	_ =	shalt  }
0x69: {  	_ =	shalt  }
0x6a: {  	_ =	shalt  }
0x6b: {  	_ =	shalt  }
0x6c: {  	_ =	shalt  }
0x6d: {  	_ =	shalt  }
0x6e: {  	_ =	shalt  }
0x6f: {  	_ =	shalt  }
0x70: {  	_ =	shalt  }
0x71: {  	_ =	shalt  }
0x72: {  	_ =	shalt  }
0x73: {  	_ =	shalt  }
0x74: {  	_ =	shalt  }
0x75: {  	_ =	shalt  }
0x76: {  	_ =	shalt  }
0x77: {  	_ =	shalt  }
0x78: {  	_ =	shalt  }
0x79: {  	_ =	shalt  }
0x7a: {  	_ =	shalt  }
0x7b: {  	_ =	shalt  }
0x7c: {  	_ =	shalt  }
0x7d: {  	_ =	shalt  }
0x7e: {  	_ =	shalt  }
0x7f: {  	_ =	shalt  }
0x80: {  	_ =	shalt  }
0x81: {  	_ =	shalt  }
0x82: {  	_ =	shalt  }
0x83: {  	_ =	shalt  }
0x84: {  	_ =	shalt  }
0x85: {  	_ =	shalt  }
0x86: {  	_ =	shalt  }
0x87: {  	_ =	shalt  }
.Lfunc_end0:
.L_simem_size_0:
called_computation_lowered:
.L_overlay_start_0:
0x88: {  	s2 =	sld [smem:$0x3FD9]  }
0x89: {  	s3 =	sld [smem:$0x3FFE];
	_ =	sdelay $0x1  }
0x8a: {  	s1 =	srdreg.scid  }
0x8b: {  	s0 =	sand.u32 $0x1, s1  }
0x8c: {  	s17 =	sshll.u32 s0, $0xA;
	s2 =	sadd.s32 s3, s2  }
0x8d: {  	s2 =	sadd.s32 s2, s17  }
0x8e: {  	[smem:$0x3FBF] =	sst s2  }
0x8f: {  	_ = 	snop  }
0x90: {  	s2 =	sld [smem:$0x3FD0];
	(tm) =	ssettm $0x1  }
0x91: {  	s18 =	sld [smem:$0x3FFB];
	_ =	sdelay $0x3  }
0x92: {  	_ =	strace s18  }
0x93: {  	s3 =	sld [smem:$0x3FFC];
	_ =	sdelay $0x3  }
0x94: {  	_ =	strace s3  }
0x95: {  	s3 =	sld [smem:$0x3FFD];
	_ =	sdelay $0x3  }
0x96: {  	_ =	strace s3  }
0x97: {  	_ =	strace $0x8FFFFFFF  }
0x98: {  	s19 =	sld [smem:$0x3FDB];
	_ =	sdelay $0x1  }
0x99: {  	s4 =	simm.s32 $_scs_section_size  }
0x9a: {  	s5 =	simm.s32 $_size__tile_overlayer_lowered;
	s6 =	simm.s32 $_tile_overlayer_lowered  }
0x9b: {  	s22 =	simm.s32 $0x1BFF;
	s21 =	sshll.u32 s6, $0x1;
	s3 =	sadd.s32 s4, s19  }
0x9c: {  	s7 =	simm.s32 $0x0;
	s20 =	sshll.u32 s5, $0x1;
	s5 =	sadd.s32 s21, s3  }
0x9d: {  	[timem:s7], [sflag:s22] =	dma.local [hbm:s5], s20  }
0x9e: {  	_ =	swait.ge [sflag:s22], s20  }
0x9f: {  	s4 =	ssub.s32 $0x0, s20;
	[sflag:s22] =	ssyncset.done $0x0  }
0xa0: {  	[sflag:s22] =	ssyncadd.s32 s4;
	_ =	sdelay $0x1  }
0xa1: {  	s23 =	simm.s32 $0x1B8B  }
0xa2: {  	_ =	swait.ge [sflag:s23], $0x1  }
0xa3: {  	[sflag:s23] =	ssyncset.done $0x0  }
0xa4: {  	s25 =	simm.s32 $0x1B8E;
	s24 =	sld [smem:$0x3FFE];
	[sflag:s23] =	ssyncadd.s32 $0xFFFFFFFF  }
0xa5: {  	s26 =	simm.s32 $execute0_lowered;
	[smem:$0x3FD2] =	sst s25  }
0xa6: {  	s5 =	sshll.u32 s26, $0x1;
	_ =	strace $0x80000046;
	[dreg:$0x1] =	wrdreg $0xFFFFFFFF  }
0xa7: {  	s28 =	simm.s32 $_size_execute0_lowered;
	s3 =	sadd.s32 s3, s5;
	[dreg:$0x0] =	wrdreg $0x0  }
0xa8: {  	s5 =	sshll.u32 s28, $0x1;
	[dreg:$0x2] =	wrdreg s3  }
0xa9: {  	[dreg:$0x3] =	wrdreg s5  }
0xaa: {  	[dreg:$0x4] =	wrdreg $0xC0  }
0xab: {  	_ =	task [dreg:s7], $0x5FFFF  }
0xac: {  	[dreg:$0x1] =	wrdreg $0xFFFFFFFF  }
0xad: {  	[dreg:$0x0] =	wrdreg $0x60  }
0xae: {  	[dreg:$0x2] =	wrdreg s2  }
0xaf: {  	[dreg:$0x3] =	wrdreg s24  }
0xb0: {  	[dreg:$0x4] =	wrdreg $0x9  }
0xb1: {  	_ =	task.clear_ibuf [dreg:s7], $0x5FFFF;
	_ =	strace $0x90000046  }
0xb2: {  	s29 =	simm.s32 $0x9;
	_ =	strace $0x80000048  }
0xb3: {  	_ =	swait.ge [sflag:s29], $0x1  }
0xb4: {  	[sflag:s29] =	ssyncadd.s32 $0xFFFFFFFF  }
0xb5: {  	_ =	strace $0x90000048  }
0xb6: {  	_ =	sfence  }
0xb7: {  	s30 =	sld [smem:$0x0];
	_ =	sdelay $0x2  }
0xb8: {  	s31 =	sshll.u32 s1, $0xD;
	s1 =	sshrl.u32 s1, $0x2  }
0xb9: {  	s3 =	sand.u32 $0x4000, s31;
	s1 =	sadd.s32 s1, s30  }
0xba: {  	s0 =	sor.u32 s3, s0;
	s1 =	sshll.u32 s1, $0x11  }
0xbb: {  	s0 =	sor.u32 s1, s0  }
0xbc: {  	s0 =	sadd.s32 $0x8F2B, s0  }
0xbd: {  	[sflag:s0] =	ssyncadd.remote.s32 $0x1  }
0xbe: {  	_ =	sfence.sel $0xFFFF  }
0xbf: {  	[dreg:$0x0] =	wrdreg $0xFFFFFFFF;
	(pc) =	sbr.abs _section_cstart, $3  }
0xc0: {  	[dreg:$0x1] =	wrdreg $0xFFFFFFFF  }
0xc1: {  	_ =	task.clear_ibuf [dreg:s7], $0x2FFFF;
	_ =	strace $0x9FFFFFFF  }
0xc2: {  	(tm) =	ssettm $0x7FFFFFFF  }
0xc3: {  	_ =	shalt  }
tec
execute0_lowered:
.L_overlay_start_1:
0x0: {  	(tag) =	ssettag $0x1  }
0x1: {  	s0 =	rddreg [dreg:$0x0]  }
0x2: {  	s1 =	rddreg [dreg:$0x1];
	s2 =	simm.s32 $0x0  }
0x3: {  	s3 =	srdreg.scid;
	s10 =	stileid.u32;
	s12 =	simm.s32 $0x80  }
0x4: {  	s18 =	simm.s32 $0x6400;
	s19 =	simm.s32 $0x1;
	s20 =	simm.s32 $0x7400  }
0x5: {  	s21 =	simm.s32 $0x2;
	s22 =	simm.s32 $0x8400;
	s28 =	simm.s32 $0x5  }
0x6: {  	s29 =	simm.s32 $0x9;
	s30 =	simm.s32 $0x6;
	s31 =	simm.s32 $0xA  }
0x7: {  	s15 =	simm.s32 $0x8;
	s17 =	simm.s32 $0xC;
	[smem:$0x7FF] =	sst s2  }
0x8: {  	s4 =	sand.u32 $0x1, s3;
	s5 =	smul.u32 $0xD0, s10;
	s6 =	sshll.u32 s10, $0x1  }
0x9: {  	s3 =	sadd.s32 $0x27ADA00, s1;
	s1 =	sadd.s32 $0x1600, s1;
	s24 =	smul.u32 $0x1A000, s10  }
0xa: {  	s7 =	smul.u32 $0x68, s4;
	s8 =	ssub.s32 $0x2, s4;
	s6 =	sor.u32 s4, s6  }
0xb: {  	_ =	strace $0x80000047;
	s9 =	sshrl.u32 s8, $0x1;
	s6 =	smul.u32 $0x680, s6  }
0xc: {  	s4 =	smul.u32 $0xD000, s4;
	s5 =	sadd.s32 s7, s5;
	s23 =	ssub.s32 s8, s9  }
0xd: {  	s5 =	sshll.u32 s5, $0x9;
	s0 =	sadd.s32 s0, s6;
	s25 =	smax.u32 s23, $0x1  }
0xe: {  	s23 =	simm.s32 $0x3;
	s6 =	simm.s32 $0x0;
	[dreg:$0x3] =	wrdreg s0  }
.Ltmp0:
0xf: {  	s5 =	sadd.s32 s5, s1;
	[dreg:$0x4] =	wrdreg s25;
	(pc) =	sbr.rel .LBB2_1-.Ltmp0, $4  }
0x10: {  	s0 =	sadd.s32 s24, s1;
	s24 =	simm.s32 $0x9400;
	s25 =	simm.s32 $0x4  }
0x11: {  	s1 =	simm.s32 $0xB;
	s26 =	sadd.s32 $0x400, s5;
	s8 =	sadd.s32 $0xC00, s5  }
0x12: {  	s7 =	smov.u32 s5;
	s9 =	sadd.s32 $0x800, s5;
	s10 =	sadd.s32 s4, s0  }
0x13: {  	s0 =	simm.s32 $0x7;
	[dreg:$0x5] =	wrdreg s26;
	s26 =	simm.s32 $0xA400  }
.LBB2_4:
0x14: {  	s4 =	simm.s32 $0xD  }
0x15: {  	_ =	swait.ge [sflag:s4], $0x1000  }
0x16: {  	[sflag:s4] =	ssyncset.done $0x0  }
0x17: {  	s13 =	simm.s32 $0xE;
	[sflag:s4] =	ssyncadd.s32 $0xFFFFF000  }
0x18: {  	_ =	swait.ge [sflag:s13], $0x1000  }
0x19: {  	[sflag:s13] =	ssyncset.done $0x0  }
0x1a: {  	s14 =	simm.s32 $0xF;
	[sflag:s13] =	ssyncadd.s32 $0xFFFFF000  }
0x1b: {  	_ =	swait.ge [sflag:s14], $0x1000  }
0x1c: {  	[sflag:s14] =	ssyncset.done $0x0  }
0x1d: {  	s5 =	simm.s32 $0x10;
	[sflag:s14] =	ssyncadd.s32 $0xFFFFF000  }
0x1e: {  	_ =	swait.ge [sflag:s5], $0x1000  }
0x1f: {  	s6 =	rddreg [dreg:$0x6]  }
0x20: {  	s16 =	rddreg [dreg:$0x4];
	s6 =	sadd.s32 $0x1, s6  }
0x21: {  	p0 =	sne.s32 s6, s16  }
.Ltmp1:
0x22: {  	_ = 	snop;
	(pc) =	sbr.rel @!p0 .LBB2_5-.Ltmp1, $3  }
0x23: {  	_ =	sdelay $0x1  }
0x24: {  	[sflag:s5] =	ssyncset.done $0x0  }
0x25: {  	[sflag:s5] =	ssyncadd.s32 $0xFFFFF000  }
.LBB2_1:
0x26: {  	[dreg:$0x6] =	wrdreg s6  }
0x27: {  	s4 =	rddreg [dreg:$0x3];
	s6 =	simm.s32 $0x11  }
0x28: {  	[tilespmem:s2], [sflag:$0x11] =	stream.linear.gather [hbm4b:s4+s2], $0x3400, $0x38;
	[tilespmem:$0xB400] =	vst v63  }
0x29: {  	_ =	swait.ge [sflag:s6], $0x3400  }
0x2a: {  	[sflag:s6] =	ssyncset.done $0x0  }
0x2b: {  	s11 =	simm.s32 $0x3400;
	[sflag:s6] =	ssyncadd.s32 $0xFFFFCC00  }
0x2c: {  	[tilespmem:s11], [sflag:$0x1] =	stream.indirect.gather [hbm4b:s3+s12], $0x20, s2, s12, $0xb8;
	[tilespmem:$0xB400] =	vst v63  }
0x2d: {  	s13 =	simm.s32 $0x4400  }
0x2e: {  	[tilespmem:s13], [sflag:$0x2] =	stream.indirect.gather [hbm4b:s3+s12], $0x20, s12, s12, $0xb8;
	[tilespmem:$0xB400] =	vst v63  }
0x2f: {  	s14 =	simm.s32 $0x100;
	s5 =	simm.s32 $0x5400  }
0x30: {  	[tilespmem:s5], [sflag:$0x3] =	stream.indirect.gather [hbm4b:s3+s12], $0x20, s14, s12, $0xb8;
	[tilespmem:$0xB400] =	vst v63  }
0x31: {  	s16 =	simm.s32 $0x180;
	s11 =	simm.s32 $0x0  }
0x32: {  	[tilespmem:s18], [sflag:$0x4] =	stream.indirect.gather [hbm4b:s3+s12], $0x20, s16, s12, $0xb8;
	[tilespmem:$0xB400] =	vst v63  }
.LBB2_2:
0x33: {  	_ =	swait.ge [sflag:s19], $0x1000  }
0x34: {  	s4 =	sadd.s32 s11, s10;
	p0 =	seq.s32 s11, $0x0;
	[sflag:s19] =	ssyncset.done $0x0  }
0x35: {  	s5 =	simm.s32 $0x3400;
	s6 =	simm.s32 @!p0 $0xD;
	[sflag:s19] =	ssyncadd.s32 $0xFFFFF000  }
0x36: {  	[hbm4b:s4+s2] =	stream.linear.scatter [tilespmem:s5], [sflag:$0x9], $0x1000, $0x38;
	[tilespmem:$0xB400] =	vst v63  }
0x37: {  	_ =	swait.ge @!p0 [sflag:s6], $0x1000  }
0x38: {  	s4 =	sshra.s32 s11, $0x2;
	[sflag:s6] =	ssyncset.done @!p0 $0x0  }
0x39: {  	s14 =	sadd.s32 $0x200, s4;
	[sflag:s6] =	ssyncadd.s32 @!p0 $0xFFFFF000  }
0x3a: {  	[tilespmem:s20], [sflag:$0x5] =	stream.indirect.gather [hbm4b:s3+s12], $0x20, s14, s12, $0xb8;
	[tilespmem:$0xB400] =	vst v63  }
0x3b: {  	_ =	swait.ge [sflag:s21], $0x1000  }
0x3c: {  	s6 =	sadd.s32 s11, s7;
	[sflag:s21] =	ssyncset.done $0x0  }
0x3d: {  	s16 =	simm.s32 $0x4400;
	s13 =	sadd.s32 $0x200, s6;
	[sflag:s21] =	ssyncadd.s32 $0xFFFFF000  }
0x3e: {  	[hbm4b:s13+s2] =	stream.linear.scatter [tilespmem:s16], [sflag:$0xA], $0x1000, $0x38;
	[tilespmem:$0xB400] =	vst v63  }
0x3f: {  	s13 =	simm.s32 @!p0 $0xE  }
0x40: {  	_ =	swait.ge @!p0 [sflag:s13], $0x1000  }
0x41: {  	[sflag:s13] =	ssyncset.done @!p0 $0x0  }
0x42: {  	s5 =	sadd.s32 $0x280, s4;
	[sflag:s13] =	ssyncadd.s32 @!p0 $0xFFFFF000  }
0x43: {  	[tilespmem:s22], [sflag:$0x6] =	stream.indirect.gather [hbm4b:s3+s12], $0x20, s5, s12, $0xb8;
	[tilespmem:$0xB400] =	vst v63  }
0x44: {  	_ =	swait.ge [sflag:s23], $0x1000  }
0x45: {  	s16 =	simm.s32 $0x5400;
	[sflag:s23] =	ssyncset.done $0x0;
	s13 =	rddreg [dreg:$0x5]  }
0x46: {  	[sflag:s23] =	ssyncadd.s32 $0xFFFFF000;
	s14 =	sadd.s32 s11, s13;
	s13 =	simm.s32 @!p0 $0xF  }
0x47: {  	[hbm4b:s14+s2] =	stream.linear.scatter [tilespmem:s16], [sflag:$0xB], $0x1000, $0x38;
	[tilespmem:$0xB400] =	vst v63  }
0x48: {  	_ =	swait.ge @!p0 [sflag:s13], $0x1000  }
0x49: {  	[sflag:s13] =	ssyncset.done @!p0 $0x0  }
0x4a: {  	s5 =	sadd.s32 $0x300, s4;
	[sflag:s13] =	ssyncadd.s32 @!p0 $0xFFFFF000  }
0x4b: {  	[tilespmem:s24], [sflag:$0x7] =	stream.indirect.gather [hbm4b:s3+s12], $0x20, s5, s12, $0xb8;
	[tilespmem:$0xB400] =	vst v63  }
0x4c: {  	_ =	swait.ge [sflag:s25], $0x1000  }
0x4d: {  	[sflag:s25] =	ssyncset.done $0x0  }
0x4e: {  	s14 =	sadd.s32 $0x600, s6;
	s13 =	simm.s32 @!p0 $0x10;
	[sflag:s25] =	ssyncadd.s32 $0xFFFFF000  }
0x4f: {  	[hbm4b:s14+s2] =	stream.linear.scatter [tilespmem:s18], [sflag:$0xC], $0x1000, $0x38;
	[tilespmem:$0xB400] =	vst v63  }
0x50: {  	_ =	swait.ge @!p0 [sflag:s13], $0x1000  }
0x51: {  	[sflag:s13] =	ssyncset.done @!p0 $0x0  }
0x52: {  	s16 =	sadd.s32 $0x380, s4;
	[sflag:s13] =	ssyncadd.s32 @!p0 $0xFFFFF000  }
0x53: {  	[tilespmem:s26], [sflag:$0x8] =	stream.indirect.gather [hbm4b:s3+s12], $0x20, s16, s12, $0xb8;
	[tilespmem:$0xB400] =	vst v63  }
0x54: {  	_ =	swait.ge [sflag:s28], $0x1000  }
0x55: {  	[sflag:s28] =	ssyncset.done $0x0  }
0x56: {  	s5 =	sadd.s32 s11, s9;
	[sflag:s28] =	ssyncadd.s32 $0xFFFFF000  }
0x57: {  	[hbm4b:s5+s2] =	stream.linear.scatter [tilespmem:s20], [sflag:$0xD], $0x1000, $0x38;
	[tilespmem:$0xB400] =	vst v63  }
0x58: {  	p0 =	seq.s32 s11, $0xC000;
	_ =	swait.ge [sflag:s29], $0x1000  }
0x59: {  	s13 =	sshra.s32 @!p0 s11, $0x2;
	s16 =	simm.s32 @!p0 $0x80;
	[sflag:s29] =	ssyncset.done $0x0  }
0x5a: {  	s14 =	sadd.s32 @!p0 $0x400, s13;
	s5 =	simm.s32 @!p0 $0x3400;
	[sflag:s29] =	ssyncadd.s32 $0xFFFFF000  }
0x5b: {  	[tilespmem:s5], [sflag:$0x1] =	stream.indirect.gather @!p0 [hbm4b:s3+s16], $0x20, s14, s16, $0xb8;
	[tilespmem:$0xB400] =	vst v63  }
0x5c: {  	_ =	swait.ge [sflag:s30], $0x1000  }
0x5d: {  	[sflag:s30] =	ssyncset.done $0x0  }
0x5e: {  	s14 =	sadd.s32 $0xA00, s6;
	[sflag:s30] =	ssyncadd.s32 $0xFFFFF000  }
0x5f: {  	[hbm4b:s14+s2] =	stream.linear.scatter [tilespmem:s22], [sflag:$0xE], $0x1000, $0x38;
	[tilespmem:$0xB400] =	vst v63  }
0x60: {  	_ =	swait.ge [sflag:s31], $0x1000  }
0x61: {  	[sflag:s31] =	ssyncset.done $0x0  }
0x62: {  	s5 =	sadd.s32 @!p0 $0x480, s13;
	s14 =	simm.s32 @!p0 $0x4400;
	[sflag:s31] =	ssyncadd.s32 $0xFFFFF000  }
0x63: {  	[tilespmem:s14], [sflag:$0x2] =	stream.indirect.gather @!p0 [hbm4b:s3+s16], $0x20, s5, s16, $0xb8;
	[tilespmem:$0xB400] =	vst v63  }
0x64: {  	_ =	swait.ge [sflag:s0], $0x1000  }
0x65: {  	[sflag:s0] =	ssyncset.done $0x0  }
0x66: {  	s14 =	sadd.s32 s11, s8;
	[sflag:s0] =	ssyncadd.s32 $0xFFFFF000  }
0x67: {  	[hbm4b:s14+s2] =	stream.linear.scatter [tilespmem:s24], [sflag:$0xF], $0x1000, $0x38;
	[tilespmem:$0xB400] =	vst v63  }
0x68: {  	_ =	swait.ge [sflag:s1], $0x1000  }
0x69: {  	[sflag:s1] =	ssyncset.done $0x0  }
0x6a: {  	s5 =	sadd.s32 @!p0 $0x500, s13;
	s13 =	simm.s32 @!p0 $0x5400;
	[sflag:s1] =	ssyncadd.s32 $0xFFFFF000  }
0x6b: {  	[tilespmem:s13], [sflag:$0x3] =	stream.indirect.gather @!p0 [hbm4b:s3+s16], $0x20, s5, s16, $0xb8;
	[tilespmem:$0xB400] =	vst v63  }
0x6c: {  	_ =	swait.ge [sflag:s15], $0x1000  }
0x6d: {  	[sflag:s15] =	ssyncset.done $0x0  }
.Ltmp2:
0x6e: {  	s16 =	sadd.s32 $0xE00, s6;
	[sflag:s15] =	ssyncadd.s32 $0xFFFFF000;
	(pc) =	sbr.rel @p0 .LBB2_4-.Ltmp2, $4  }
0x6f: {  	[hbm4b:s16+s2] =	stream.linear.scatter [tilespmem:s26], [sflag:$0x10], $0x1000, $0x38;
	[tilespmem:$0xB400] =	vst v63  }
0x70: {  	_ =	swait.ge [sflag:s17], $0x1000  }
0x71: {  	[sflag:s17] =	ssyncset.done $0x0  }
0x72: {  	[sflag:s17] =	ssyncadd.s32 $0xFFFFF000  }
.Ltmp3:
0x73: {  	(pc) =	sbr.rel .LBB2_2-.Ltmp3, $3  }
0x74: {  	_ =	sdelay $0x1  }
0x75: {  	s4 =	sadd.s32 $0x580, s4;
	s11 =	sadd.s32 $0x1000, s11  }
0x76: {  	[tilespmem:s18], [sflag:$0x4] =	stream.indirect.gather [hbm4b:s3+s12], $0x20, s4, s12, $0xb8;
	[tilespmem:$0xB400] =	vst v63  }
.LBB2_5:
0x77: {  	_ =	sfence.sel $0x180000  }
0x78: {  	[bflag:$0x0] =	sbarrier.arrive $0xFFFF  }
0x79: {  	_ =	strace $0x90000047  }
0x7a: {  	s0 =	stileid.u32;
	[bflag:$0x2] =	sbarrier.arrive $0xFFFF  }
0x7b: {  	p0 =	sne.s32 s0, $0x0;
	s0 =	rddreg [dreg:$0x2]  }
0x7c: {  	s0 =	sadd.s32 @!p0 $0x100000, s0  }
0x7d: {  	[sflag:s0] =	ssyncadd.tile.s32 @!p0 $0x1;
	_ =	shalt  }
.Lfunc_end2:
_tile_overlayer_lowered:
.L_overlay_start_2:
0x7e: {  	(tag) =	ssettag $0x2  }
0x7f: {  	s0 =	rddreg [dreg:$0x0];
	s2 =	stileid.u32  }
0x80: {  	s1 =	rddreg [dreg:$0x1];
	p0 =	sne.s32 s2, $0x0  }
0x81: {  	s3 =	rddreg [dreg:$0x2];
	[bflag:$0x3] =	sbarrier.arrive $0xFFFF;
	s2 =	simm.s32 @!p0 $0x1C11  }
0x82: {  	[timem:s3], [sflag:s2] =	dma.local @!p0 [hbm:s0], s1  }
0x83: {  	s0 =	simm.s32 @!p0 $0x11  }
0x84: {  	_ =	swait.ge @!p0 [sflag:s0], s1  }
0x85: {  	s1 =	ssub.s32 @!p0 $0x0, s1;
	[sflag:s0] =	ssyncset.done @!p0 $0x0  }
0x86: {  	[sflag:s0] =	ssyncadd.s32 @!p0 s1  }
0x87: {  	[bflag:$0x3] =	sbarrier.arrive $0xFFFF  }
0x88: {  	_ =	shalt  }

</sc_bundles>
